<compile_context>
chip_gen: v7x
topology: tpu7x:2x2x1
jax: 0.10.2.dev20260603
libtpu: 0.0.44.dev20260713+nightly
codegen_flags: <defaults>
</compile_context>

<pallas_src>
import functools

import jax
import jax.numpy as jnp
from jax import lax
from jax.experimental import pallas as pl
from jax.experimental.pallas import tpu as pltpu
from jax.experimental.pallas import tpu_sc as plsc

NC = 2
NS = 16
NW = NC * NS
CHUNK = 128


def _make_gather(B: int, E: int, n_chunks: int, slice_row0: int):
    mesh = plsc.VectorSubcoreMesh(core_axis_name="c", subcore_axis_name="s")

    T = 2 * n_chunks
    NBUF = min(T, 6)

    @functools.partial(
        pl.kernel,
        mesh=mesh,
        out_type=(
            jax.ShapeDtypeStruct((B, E), jnp.float32),
            jax.ShapeDtypeStruct((B, E), jnp.float32),
        ),
        scratch_types=[
            pltpu.VMEM((n_chunks, CHUNK), jnp.int32),
            pltpu.VMEM((n_chunks, CHUNK), jnp.int32),
            [pltpu.VMEM((CHUNK, E), jnp.float32) for _ in range(NBUF)],
            [pltpu.SemaphoreType.DMA for _ in range(NBUF)],
            [pltpu.SemaphoreType.DMA for _ in range(NBUF)],
            pltpu.SemaphoreType.DMA,
            pltpu.SemaphoreType.DMA,
        ],
    )
    def gather(uids_hbm, iids_hbm, utab_hbm, itab_hbm, out_u, out_i,
               uidx_v, iidx_v, bufs, gsems, wsems, isem0, isem1):
        wid = lax.axis_index("s") * NC + lax.axis_index("c")
        base_row = wid * n_chunks
        cu = pltpu.async_copy(
            uids_hbm.at[pl.ds(slice_row0 + base_row, n_chunks)], uidx_v, isem0)
        ci = pltpu.async_copy(
            iids_hbm.at[pl.ds(slice_row0 + base_row, n_chunks)], iidx_v, isem1)
        cu.wait()
        ci.wait()
        steps = [(uidx_v, utab_hbm, out_u, j) for j in range(n_chunks)]
        steps += [(iidx_v, itab_hbm, out_i, j) for j in range(n_chunks)]
        copies = [
            pltpu.async_copy(tab.at[idx_v.at[j]], bufs[t % NBUF],
                             gsems[t % NBUF])
            for t, (idx_v, tab, _, j) in enumerate(steps[:NBUF])
        ]
        writes = []
        for t, (_, _, out, j) in enumerate(steps):
            copies[t].wait()
            writes.append(pltpu.async_copy(
                bufs[t % NBUF], out.at[pl.ds((base_row + j) * CHUNK, CHUNK)],
                wsems[t % NBUF]))
            nxt = t + NBUF
            if nxt < T:
                idx_v, tab, _, j2 = steps[nxt]
                writes[t].wait()
                copies.append(pltpu.async_copy(
                    tab.at[idx_v.at[j2]], bufs[nxt % NBUF], gsems[nxt % NBUF]))
        for w in writes[max(0, T - NBUF):]:
            w.wait()

    return gather


def _dot_t(x, w):
    return lax.dot_general(x, w, (((1,), (1,)), ((), ())),
                           preferred_element_type=jnp.float32)


def _mlp_body(u_ref, i_ref, w1a_ref, w1b_ref, b1_ref, w2_ref, b2_ref,
              w3_ref, b3_ref, o_ref):
    h = _dot_t(u_ref[...], w1a_ref[...])
    h = h + _dot_t(i_ref[...], w1b_ref[...])
    h = jnp.maximum(h + b1_ref[...], 0.0)
    h = jnp.maximum(_dot_t(h, w2_ref[...]) + b2_ref[...], 0.0)
    w3 = w3_ref[...]
    b3 = b3_ref[0]
    nrow = o_ref.shape[0]
    for c in range(nrow):
        o_ref[c:c + 1, :] = _dot_t(w3, h[128 * c:128 * (c + 1), :]) + b3


def _mlp_call(U, I, W1, b1, W2, b2, W3, b3, BC):
    Bs, E = U.shape
    return pl.pallas_call(
        _mlp_body,
        grid=(Bs // BC,),
        in_specs=[
            pl.BlockSpec((BC, E), lambda i: (i, 0)),
            pl.BlockSpec((BC, E), lambda i: (i, 0)),
            pl.BlockSpec((128, E), lambda i: (0, 0)),
            pl.BlockSpec((128, E), lambda i: (0, 1)),
            pl.BlockSpec((1, 128), lambda i: (0, 0)),
            pl.BlockSpec((64, 128), lambda i: (0, 0)),
            pl.BlockSpec((1, 64), lambda i: (0, 0)),
            pl.BlockSpec((1, 64), lambda i: (0, 0)),
            pl.BlockSpec(memory_space=pltpu.SMEM),
        ],
        out_specs=pl.BlockSpec((BC // 128, 128), lambda i: (i, 0)),
        out_shape=jax.ShapeDtypeStruct((Bs // 128, 128), jnp.float32),
    )(U, I, W1, W1, b1.reshape(1, 128), W2, b2.reshape(1, 64), W3, b3)


SLICES = (16384,)


def kernel(user_ids, item_ids, user_table, item_table, W1, b1, W2, b2, W3, b3):
    B = user_ids.shape[0]
    E = user_table.shape[1]

    uids = user_ids.astype(jnp.int32).reshape(B // CHUNK, CHUNK)
    iids = item_ids.astype(jnp.int32).reshape(B // CHUNK, CHUNK)
    outs = []
    row0 = 0
    for Bs in SLICES:
        n_chunks = Bs // (NW * CHUNK)
        U, I = _make_gather(Bs, E, n_chunks, row0)(
            uids, iids, user_table, item_table)
        outs.append(_mlp_call(U, I, W1, b1, W2, b2, W3, b3, min(4096, Bs // 2)))
        row0 += Bs // CHUNK
    return jnp.concatenate(outs, axis=0).reshape(B)

# --- scband reference (transcript-rebuilt; emitter-appended) ---
"""Pipeline reference for scband-non-linear-model-72825465471284 (READ-ONLY COPY).

The authoritative reference and input builder live on the scoring server;
editing this copy changes nothing except your own understanding.
"""

import jax, jax.numpy as jnp
import numpy as np

NUM_USERS = 100000
NUM_ITEMS = 100000
EMBED_DIM = 128
BATCH = 16384


def setup_inputs(seed: int = 0) -> dict:
    key = jax.random.key(seed)
    ks = jax.random.split(key, 10)
    user_ids = jax.random.randint(ks[0], (BATCH,), 0, NUM_USERS, dtype=jnp.int64 if jax.config.jax_enable_x64 else jnp.int32)
    item_ids = jax.random.randint(ks[1], (BATCH,), 0, NUM_ITEMS, dtype=jnp.int64 if jax.config.jax_enable_x64 else jnp.int32)
    user_table = jax.random.normal(ks[2], (NUM_USERS, EMBED_DIM), dtype=jnp.float32)
    item_table = jax.random.normal(ks[3], (NUM_ITEMS, EMBED_DIM), dtype=jnp.float32)
    # fc1: (2*E) -> 128, fc2: 128 -> 64, fc3: 64 -> 1 (PyTorch Linear: y = x @ W.T + b)
    W1 = jax.random.normal(ks[4], (128, 2 * EMBED_DIM), dtype=jnp.float32) * (1.0 / np.sqrt(2 * EMBED_DIM))
    b1 = jnp.zeros((128,), dtype=jnp.float32)
    W2 = jax.random.normal(ks[5], (64, 128), dtype=jnp.float32) * (1.0 / np.sqrt(128))
    b2 = jnp.zeros((64,), dtype=jnp.float32)
    W3 = jax.random.normal(ks[6], (1, 64), dtype=jnp.float32) * (1.0 / np.sqrt(64))
    b3 = jnp.zeros((1,), dtype=jnp.float32)
    return {
        "user_ids": user_ids,
        "item_ids": item_ids,
        "user_table": user_table,
        "item_table": item_table,
        "W1": W1, "b1": b1,
        "W2": W2, "b2": b2,
        "W3": W3, "b3": b3,
    }


def reference(user_ids, item_ids, user_table, item_table, W1, b1, W2, b2, W3, b3):
    # Embedding lookups (gather)
    user_embeds = jnp.take(user_table, user_ids, axis=0)   # [B, E]
    item_embeds = jnp.take(item_table, item_ids, axis=0)   # [B, E]
    x = jnp.concatenate([user_embeds, item_embeds], axis=1)  # [B, 2E]
    x = jax.nn.relu(x @ W1.T + b1)   # dropout is identity in eval mode
    x = jax.nn.relu(x @ W2.T + b2)
    x = x @ W3.T + b3                # [B, 1]
    return jnp.squeeze(x, axis=-1)   # [B]

if __name__ == "__main__":
    import jax
    _d = setup_inputs()
    print(jax.jit(kernel)(*tuple(_d.values())))

</pallas_src>

<mosaic_0001>
#map = affine_map<(d0, d1) -> (0, 0)>
module attributes {stable_mosaic.version = 14 : i64} {
  func.func @gather(%arg0: i32, %arg1: i32, %arg2: memref<128x128xi32, #tpu.memory_space<hbm>>, %arg3: memref<128x128xi32, #tpu.memory_space<hbm>>, %arg4: memref<100000x128xf32, #tpu.memory_space<hbm>>, %arg5: memref<100000x128xf32, #tpu.memory_space<hbm>>, %arg6: memref<16384x128xf32, #tpu.memory_space<hbm>>, %arg7: memref<16384x128xf32, #tpu.memory_space<hbm>>, %arg8: memref<4x128xi32, #tpu.memory_space<vmem>>, %arg9: memref<4x128xi32, #tpu.memory_space<vmem>>, %arg10: memref<128x128xf32, #tpu.memory_space<vmem>>, %arg11: memref<128x128xf32, #tpu.memory_space<vmem>>, %arg12: memref<128x128xf32, #tpu.memory_space<vmem>>, %arg13: memref<128x128xf32, #tpu.memory_space<vmem>>, %arg14: memref<128x128xf32, #tpu.memory_space<vmem>>, %arg15: memref<128x128xf32, #tpu.memory_space<vmem>>, %arg16: memref<!tpu.dma_semaphore, #tpu.memory_space<semaphore_mem>>, %arg17: memref<!tpu.dma_semaphore, #tpu.memory_space<semaphore_mem>>, %arg18: memref<!tpu.dma_semaphore, #tpu.memory_space<semaphore_mem>>, %arg19: memref<!tpu.dma_semaphore, #tpu.memory_space<semaphore_mem>>, %arg20: memref<!tpu.dma_semaphore, #tpu.memory_space<semaphore_mem>>, %arg21: memref<!tpu.dma_semaphore, #tpu.memory_space<semaphore_mem>>, %arg22: memref<!tpu.dma_semaphore, #tpu.memory_space<semaphore_mem>>, %arg23: memref<!tpu.dma_semaphore, #tpu.memory_space<semaphore_mem>>, %arg24: memref<!tpu.dma_semaphore, #tpu.memory_space<semaphore_mem>>, %arg25: memref<!tpu.dma_semaphore, #tpu.memory_space<semaphore_mem>>, %arg26: memref<!tpu.dma_semaphore, #tpu.memory_space<semaphore_mem>>, %arg27: memref<!tpu.dma_semaphore, #tpu.memory_space<semaphore_mem>>, %arg28: memref<!tpu.dma_semaphore, #tpu.memory_space<semaphore_mem>>, %arg29: memref<!tpu.dma_semaphore, #tpu.memory_space<semaphore_mem>>) attributes {dimension_semantics = [#tpu.dimension_semantics<core_parallel>, #tpu.dimension_semantics<subcore_parallel>], iteration_bounds = array<i64: 2, 16>, scalar_prefetch = 0 : i64, scratch_operands = 22 : i64, tpu.core_type = #tpu.core_type<sc_vector_subcore>, window_params = [{transform_indices = #map}, {transform_indices = #map}, {transform_indices = #map}, {transform_indices = #map}, {transform_indices = #map}, {transform_indices = #map}]} {
    %mul3A = arith.constant 2 : i32
    %mul3A_0 = arith.muli %arg1, %mul3A : i32
    %add3A = arith.addi %mul3A_0, %arg0 : i32
    %mul3A_1 = arith.constant 4 : i32
    %mul3A_2 = arith.muli %add3A, %mul3A_1 : i32
    %add3A_3 = arith.constant 0 : i32
    %add3A_4 = arith.addi %add3A_3, %mul3A_2 : i32
    %dma_start3A = arith.constant 0 : i32
    %dma_start3A_5 = tpu.memref_slice %arg2[%add3A_4, %dma_start3A] : memref<128x128xi32, #tpu.memory_space<hbm>> -> memref<4x128xi32, #tpu.memory_space<hbm>>
    %dma_start3A_6 = arith.constant 0 : i32
    %dma_start3A_7 = tpu.memref_slice %arg2[%add3A_4, %dma_start3A_6] : memref<128x128xi32, #tpu.memory_space<hbm>> -> memref<4x128xi32, #tpu.memory_space<hbm>>
    tpu.enqueue_dma source(%dma_start3A_7 : memref<4x128xi32, #tpu.memory_space<hbm>>) target(%arg8 : memref<4x128xi32, #tpu.memory_space<vmem>>) target_semaphore(%arg28 : memref<!tpu.dma_semaphore, #tpu.memory_space<semaphore_mem>>)
    %add3A_8 = arith.constant 0 : i32
    %add3A_9 = arith.addi %add3A_8, %mul3A_2 : i32
    %dma_start3A_10 = arith.constant 0 : i32
    %dma_start3A_11 = tpu.memref_slice %arg3[%add3A_9, %dma_start3A_10] : memref<128x128xi32, #tpu.memory_space<hbm>> -> memref<4x128xi32, #tpu.memory_space<hbm>>
    %dma_start3A_12 = arith.constant 0 : i32
    %dma_start3A_13 = tpu.memref_slice %arg3[%add3A_9, %dma_start3A_12] : memref<128x128xi32, #tpu.memory_space<hbm>> -> memref<4x128xi32, #tpu.memory_space<hbm>>
    tpu.enqueue_dma source(%dma_start3A_13 : memref<4x128xi32, #tpu.memory_space<hbm>>) target(%arg9 : memref<4x128xi32, #tpu.memory_space<vmem>>) target_semaphore(%arg29 : memref<!tpu.dma_semaphore, #tpu.memory_space<semaphore_mem>>)
    %dma_wait3A = arith.constant 0 : i32
    %dma_wait3A_14 = tpu.memref_slice %arg2[%add3A_4, %dma_wait3A] : memref<128x128xi32, #tpu.memory_space<hbm>> -> memref<4x128xi32, #tpu.memory_space<hbm>>
    %dma_wait3A_15 = arith.constant 0 : i32
    %dma_wait3A_16 = tpu.memref_slice %arg2[%add3A_4, %dma_wait3A_15] : memref<128x128xi32, #tpu.memory_space<hbm>> -> memref<4x128xi32, #tpu.memory_space<hbm>>
    tpu.wait_dma2 semaphore(%arg28 : memref<!tpu.dma_semaphore, #tpu.memory_space<semaphore_mem>>) src(%dma_wait3A_16 : memref<4x128xi32, #tpu.memory_space<hbm>>) dst(%arg8 : memref<4x128xi32, #tpu.memory_space<vmem>>)
    %dma_wait3A_17 = arith.constant 0 : i32
    %dma_wait3A_18 = tpu.memref_slice %arg3[%add3A_9, %dma_wait3A_17] : memref<128x128xi32, #tpu.memory_space<hbm>> -> memref<4x128xi32, #tpu.memory_space<hbm>>
    %dma_wait3A_19 = arith.constant 0 : i32
    %dma_wait3A_20 = tpu.memref_slice %arg3[%add3A_9, %dma_wait3A_19] : memref<128x128xi32, #tpu.memory_space<hbm>> -> memref<4x128xi32, #tpu.memory_space<hbm>>
    tpu.wait_dma2 semaphore(%arg29 : memref<!tpu.dma_semaphore, #tpu.memory_space<semaphore_mem>>) src(%dma_wait3A_20 : memref<4x128xi32, #tpu.memory_space<hbm>>) dst(%arg9 : memref<4x128xi32, #tpu.memory_space<vmem>>)
    %dma_start3A_21 = arith.constant 0 : i32
    %dma_start3A_22 = arith.constant 0 : i32
    %dma_start3A_23 = tpu.memref_slice %arg8[%dma_start3A_21, %dma_start3A_22] : memref<4x128xi32, #tpu.memory_space<vmem>> -> memref<1x128xi32, #tpu.memory_space<vmem>>
    %dma_start3A_24 = tpu.memref_squeeze %dma_start3A_23 : memref<1x128xi32, #tpu.memory_space<vmem>> -> memref<128xi32, #tpu.memory_space<vmem>>
    %dma_start3A_25 = arith.constant 0 : i32
    %dma_start3A_26 = arith.constant 0 : i32
    %dma_start3A_27 = tpu.memref_slice %arg4[%dma_start3A_25, %dma_start3A_26] : memref<100000x128xf32, #tpu.memory_space<hbm>> -> memref<100000x128xf32, #tpu.memory_space<hbm>>
    tpu.enqueue_indirect_dma source(%dma_start3A_27 : memref<100000x128xf32, #tpu.memory_space<hbm>>) target(%arg10 : memref<128x128xf32, #tpu.memory_space<vmem>>) offsets(%dma_start3A_24 : memref<128xi32, #tpu.memory_space<vmem>>) semaphore(%arg16 : memref<!tpu.dma_semaphore, #tpu.memory_space<semaphore_mem>>)
    %dma_start3A_28 = arith.constant 1 : i32
    %dma_start3A_29 = arith.constant 0 : i32
    %dma_start3A_30 = tpu.memref_slice %arg8[%dma_start3A_28, %dma_start3A_29] : memref<4x128xi32, #tpu.memory_space<vmem>> -> memref<1x128xi32, #tpu.memory_space<vmem>>
    %dma_start3A_31 = tpu.memref_squeeze %dma_start3A_30 : memref<1x128xi32, #tpu.memory_space<vmem>> -> memref<128xi32, #tpu.memory_space<vmem>>
    %dma_start3A_32 = arith.constant 0 : i32
    %dma_start3A_33 = arith.constant 0 : i32
    %dma_start3A_34 = tpu.memref_slice %arg4[%dma_start3A_32, %dma_start3A_33] : memref<100000x128xf32, #tpu.memory_space<hbm>> -> memref<100000x128xf32, #tpu.memory_space<hbm>>
    tpu.enqueue_indirect_dma source(%dma_start3A_34 : memref<100000x128xf32, #tpu.memory_space<hbm>>) target(%arg11 : memref<128x128xf32, #tpu.memory_space<vmem>>) offsets(%dma_start3A_31 : memref<128xi32, #tpu.memory_space<vmem>>) semaphore(%arg17 : memref<!tpu.dma_semaphore, #tpu.memory_space<semaphore_mem>>)
    %dma_start3A_35 = arith.constant 2 : i32
    %dma_start3A_36 = arith.constant 0 : i32
    %dma_start3A_37 = tpu.memref_slice %arg8[%dma_start3A_35, %dma_start3A_36] : memref<4x128xi32, #tpu.memory_space<vmem>> -> memref<1x128xi32, #tpu.memory_space<vmem>>
    %dma_start3A_38 = tpu.memref_squeeze %dma_start3A_37 : memref<1x128xi32, #tpu.memory_space<vmem>> -> memref<128xi32, #tpu.memory_space<vmem>>
    %dma_start3A_39 = arith.constant 0 : i32
    %dma_start3A_40 = arith.constant 0 : i32
    %dma_start3A_41 = tpu.memref_slice %arg4[%dma_start3A_39, %dma_start3A_40] : memref<100000x128xf32, #tpu.memory_space<hbm>> -> memref<100000x128xf32, #tpu.memory_space<hbm>>
    tpu.enqueue_indirect_dma source(%dma_start3A_41 : memref<100000x128xf32, #tpu.memory_space<hbm>>) target(%arg12 : memref<128x128xf32, #tpu.memory_space<vmem>>) offsets(%dma_start3A_38 : memref<128xi32, #tpu.memory_space<vmem>>) semaphore(%arg18 : memref<!tpu.dma_semaphore, #tpu.memory_space<semaphore_mem>>)
    %dma_start3A_42 = arith.constant 3 : i32
    %dma_start3A_43 = arith.constant 0 : i32
    %dma_start3A_44 = tpu.memref_slice %arg8[%dma_start3A_42, %dma_start3A_43] : memref<4x128xi32, #tpu.memory_space<vmem>> -> memref<1x128xi32, #tpu.memory_space<vmem>>
    %dma_start3A_45 = tpu.memref_squeeze %dma_start3A_44 : memref<1x128xi32, #tpu.memory_space<vmem>> -> memref<128xi32, #tpu.memory_space<vmem>>
    %dma_start3A_46 = arith.constant 0 : i32
    %dma_start3A_47 = arith.constant 0 : i32
    %dma_start3A_48 = tpu.memref_slice %arg4[%dma_start3A_46, %dma_start3A_47] : memref<100000x128xf32, #tpu.memory_space<hbm>> -> memref<100000x128xf32, #tpu.memory_space<hbm>>
    tpu.enqueue_indirect_dma source(%dma_start3A_48 : memref<100000x128xf32, #tpu.memory_space<hbm>>) target(%arg13 : memref<128x128xf32, #tpu.memory_space<vmem>>) offsets(%dma_start3A_45 : memref<128xi32, #tpu.memory_space<vmem>>) semaphore(%arg19 : memref<!tpu.dma_semaphore, #tpu.memory_space<semaphore_mem>>)
    %dma_start3A_49 = arith.constant 0 : i32
    %dma_start3A_50 = arith.constant 0 : i32
    %dma_start3A_51 = tpu.memref_slice %arg9[%dma_start3A_49, %dma_start3A_50] : memref<4x128xi32, #tpu.memory_space<vmem>> -> memref<1x128xi32, #tpu.memory_space<vmem>>
    %dma_start3A_52 = tpu.memref_squeeze %dma_start3A_51 : memref<1x128xi32, #tpu.memory_space<vmem>> -> memref<128xi32, #tpu.memory_space<vmem>>
    %dma_start3A_53 = arith.constant 0 : i32
    %dma_start3A_54 = arith.constant 0 : i32
    %dma_start3A_55 = tpu.memref_slice %arg5[%dma_start3A_53, %dma_start3A_54] : memref<100000x128xf32, #tpu.memory_space<hbm>> -> memref<100000x128xf32, #tpu.memory_space<hbm>>
    tpu.enqueue_indirect_dma source(%dma_start3A_55 : memref<100000x128xf32, #tpu.memory_space<hbm>>) target(%arg14 : memref<128x128xf32, #tpu.memory_space<vmem>>) offsets(%dma_start3A_52 : memref<128xi32, #tpu.memory_space<vmem>>) semaphore(%arg20 : memref<!tpu.dma_semaphore, #tpu.memory_space<semaphore_mem>>)
    %dma_start3A_56 = arith.constant 1 : i32
    %dma_start3A_57 = arith.constant 0 : i32
    %dma_start3A_58 = tpu.memref_slice %arg9[%dma_start3A_56, %dma_start3A_57] : memref<4x128xi32, #tpu.memory_space<vmem>> -> memref<1x128xi32, #tpu.memory_space<vmem>>
    %dma_start3A_59 = tpu.memref_squeeze %dma_start3A_58 : memref<1x128xi32, #tpu.memory_space<vmem>> -> memref<128xi32, #tpu.memory_space<vmem>>
    %dma_start3A_60 = arith.constant 0 : i32
    %dma_start3A_61 = arith.constant 0 : i32
    %dma_start3A_62 = tpu.memref_slice %arg5[%dma_start3A_60, %dma_start3A_61] : memref<100000x128xf32, #tpu.memory_space<hbm>> -> memref<100000x128xf32, #tpu.memory_space<hbm>>
    tpu.enqueue_indirect_dma source(%dma_start3A_62 : memref<100000x128xf32, #tpu.memory_space<hbm>>) target(%arg15 : memref<128x128xf32, #tpu.memory_space<vmem>>) offsets(%dma_start3A_59 : memref<128xi32, #tpu.memory_space<vmem>>) semaphore(%arg21 : memref<!tpu.dma_semaphore, #tpu.memory_space<semaphore_mem>>)
    %dma_wait3A_63 = arith.constant 0 : i32
    %dma_wait3A_64 = arith.constant 0 : i32
    %dma_wait3A_65 = tpu.memref_slice %arg8[%dma_wait3A_63, %dma_wait3A_64] : memref<4x128xi32, #tpu.memory_space<vmem>> -> memref<1x128xi32, #tpu.memory_space<vmem>>
    %dma_wait3A_66 = tpu.memref_squeeze %dma_wait3A_65 : memref<1x128xi32, #tpu.memory_space<vmem>> -> memref<128xi32, #tpu.memory_space<vmem>>
    %dma_wait3A_67 = arith.constant 0 : i32
    %dma_wait3A_68 = arith.constant 0 : i32
    %dma_wait3A_69 = tpu.memref_slice %arg4[%dma_wait3A_67, %dma_wait3A_68] : memref<100000x128xf32, #tpu.memory_space<hbm>> -> memref<100000x128xf32, #tpu.memory_space<hbm>>
    tpu.wait_indirect_dma semaphore(%arg16 : memref<!tpu.dma_semaphore, #tpu.memory_space<semaphore_mem>>) src(%dma_wait3A_69 : memref<100000x128xf32, #tpu.memory_space<hbm>>) dst(%arg10 : memref<128x128xf32, #tpu.memory_space<vmem>>)
    %add3A_70 = arith.constant 0 : i32
    %add3A_71 = arith.addi %mul3A_2, %add3A_70 : i32
    %mul3A_72 = arith.constant 128 : i32
    %mul3A_73 = arith.muli %add3A_71, %mul3A_72 : i32
    %dma_start3A_74 = arith.constant 0 : i32
    %dma_start3A_75 = tpu.memref_slice %arg6[%mul3A_73, %dma_start3A_74] : memref<16384x128xf32, #tpu.memory_space<hbm>> -> memref<128x128xf32, #tpu.memory_space<hbm>>
    %dma_start3A_76 = arith.constant 0 : i32
    %dma_start3A_77 = tpu.memref_slice %arg6[%mul3A_73, %dma_start3A_76] : memref<16384x128xf32, #tpu.memory_space<hbm>> -> memref<128x128xf32, #tpu.memory_space<hbm>>
    tpu.enqueue_dma source(%arg10 : memref<128x128xf32, #tpu.memory_space<vmem>>) target(%dma_start3A_77 : memref<128x128xf32, #tpu.memory_space<hbm>>) target_semaphore(%arg22 : memref<!tpu.dma_semaphore, #tpu.memory_space<semaphore_mem>>)
    %dma_wait3A_78 = arith.constant 0 : i32
    %dma_wait3A_79 = tpu.memref_slice %arg6[%mul3A_73, %dma_wait3A_78] : memref<16384x128xf32, #tpu.memory_space<hbm>> -> memref<128x128xf32, #tpu.memory_space<hbm>>
    %dma_wait3A_80 = arith.constant 0 : i32
    %dma_wait3A_81 = tpu.memref_slice %arg6[%mul3A_73, %dma_wait3A_80] : memref<16384x128xf32, #tpu.memory_space<hbm>> -> memref<128x128xf32, #tpu.memory_space<hbm>>
    tpu.wait_dma2 semaphore(%arg22 : memref<!tpu.dma_semaphore, #tpu.memory_space<semaphore_mem>>) src(%arg10 : memref<128x128xf32, #tpu.memory_space<vmem>>) dst(%dma_wait3A_81 : memref<128x128xf32, #tpu.memory_space<hbm>>)
    %dma_start3A_82 = arith.constant 2 : i32
    %dma_start3A_83 = arith.constant 0 : i32
    %dma_start3A_84 = tpu.memref_slice %arg9[%dma_start3A_82, %dma_start3A_83] : memref<4x128xi32, #tpu.memory_space<vmem>> -> memref<1x128xi32, #tpu.memory_space<vmem>>
    %dma_start3A_85 = tpu.memref_squeeze %dma_start3A_84 : memref<1x128xi32, #tpu.memory_space<vmem>> -> memref<128xi32, #tpu.memory_space<vmem>>
    %dma_start3A_86 = arith.constant 0 : i32
    %dma_start3A_87 = arith.constant 0 : i32
    %dma_start3A_88 = tpu.memref_slice %arg5[%dma_start3A_86, %dma_start3A_87] : memref<100000x128xf32, #tpu.memory_space<hbm>> -> memref<100000x128xf32, #tpu.memory_space<hbm>>
    tpu.enqueue_indirect_dma source(%dma_start3A_88 : memref<100000x128xf32, #tpu.memory_space<hbm>>) target(%arg10 : memref<128x128xf32, #tpu.memory_space<vmem>>) offsets(%dma_start3A_85 : memref<128xi32, #tpu.memory_space<vmem>>) semaphore(%arg16 : memref<!tpu.dma_semaphore, #tpu.memory_space<semaphore_mem>>)
    %dma_wait3A_89 = arith.constant 1 : i32
    %dma_wait3A_90 = arith.constant 0 : i32
    %dma_wait3A_91 = tpu.memref_slice %arg8[%dma_wait3A_89, %dma_wait3A_90] : memref<4x128xi32, #tpu.memory_space<vmem>> -> memref<1x128xi32, #tpu.memory_space<vmem>>
    %dma_wait3A_92 = tpu.memref_squeeze %dma_wait3A_91 : memref<1x128xi32, #tpu.memory_space<vmem>> -> memref<128xi32, #tpu.memory_space<vmem>>
    %dma_wait3A_93 = arith.constant 0 : i32
    %dma_wait3A_94 = arith.constant 0 : i32
    %dma_wait3A_95 = tpu.memref_slice %arg4[%dma_wait3A_93, %dma_wait3A_94] : memref<100000x128xf32, #tpu.memory_space<hbm>> -> memref<100000x128xf32, #tpu.memory_space<hbm>>
    tpu.wait_indirect_dma semaphore(%arg17 : memref<!tpu.dma_semaphore, #tpu.memory_space<semaphore_mem>>) src(%dma_wait3A_95 : memref<100000x128xf32, #tpu.memory_space<hbm>>) dst(%arg11 : memref<128x128xf32, #tpu.memory_space<vmem>>)
    %add3A_96 = arith.constant 1 : i32
    %add3A_97 = arith.addi %mul3A_2, %add3A_96 : i32
    %mul3A_98 = arith.constant 128 : i32
    %mul3A_99 = arith.muli %add3A_97, %mul3A_98 : i32
    %dma_start3A_100 = arith.constant 0 : i32
    %dma_start3A_101 = tpu.memref_slice %arg6[%mul3A_99, %dma_start3A_100] : memref<16384x128xf32, #tpu.memory_space<hbm>> -> memref<128x128xf32, #tpu.memory_space<hbm>>
    %dma_start3A_102 = arith.constant 0 : i32
    %dma_start3A_103 = tpu.memref_slice %arg6[%mul3A_99, %dma_start3A_102] : memref<16384x128xf32, #tpu.memory_space<hbm>> -> memref<128x128xf32, #tpu.memory_space<hbm>>
    tpu.enqueue_dma source(%arg11 : memref<128x128xf32, #tpu.memory_space<vmem>>) target(%dma_start3A_103 : memref<128x128xf32, #tpu.memory_space<hbm>>) target_semaphore(%arg23 : memref<!tpu.dma_semaphore, #tpu.memory_space<semaphore_mem>>)
    %dma_wait3A_104 = arith.constant 0 : i32
    %dma_wait3A_105 = tpu.memref_slice %arg6[%mul3A_99, %dma_wait3A_104] : memref<16384x128xf32, #tpu.memory_space<hbm>> -> memref<128x128xf32, #tpu.memory_space<hbm>>
    %dma_wait3A_106 = arith.constant 0 : i32
    %dma_wait3A_107 = tpu.memref_slice %arg6[%mul3A_99, %dma_wait3A_106] : memref<16384x128xf32, #tpu.memory_space<hbm>> -> memref<128x128xf32, #tpu.memory_space<hbm>>
    tpu.wait_dma2 semaphore(%arg23 : memref<!tpu.dma_semaphore, #tpu.memory_space<semaphore_mem>>) src(%arg11 : memref<128x128xf32, #tpu.memory_space<vmem>>) dst(%dma_wait3A_107 : memref<128x128xf32, #tpu.memory_space<hbm>>)
    %dma_start3A_108 = arith.constant 3 : i32
    %dma_start3A_109 = arith.constant 0 : i32
    %dma_start3A_110 = tpu.memref_slice %arg9[%dma_start3A_108, %dma_start3A_109] : memref<4x128xi32, #tpu.memory_space<vmem>> -> memref<1x128xi32, #tpu.memory_space<vmem>>
    %dma_start3A_111 = tpu.memref_squeeze %dma_start3A_110 : memref<1x128xi32, #tpu.memory_space<vmem>> -> memref<128xi32, #tpu.memory_space<vmem>>
    %dma_start3A_112 = arith.constant 0 : i32
    %dma_start3A_113 = arith.constant 0 : i32
    %dma_start3A_114 = tpu.memref_slice %arg5[%dma_start3A_112, %dma_start3A_113] : memref<100000x128xf32, #tpu.memory_space<hbm>> -> memref<100000x128xf32, #tpu.memory_space<hbm>>
    tpu.enqueue_indirect_dma source(%dma_start3A_114 : memref<100000x128xf32, #tpu.memory_space<hbm>>) target(%arg11 : memref<128x128xf32, #tpu.memory_space<vmem>>) offsets(%dma_start3A_111 : memref<128xi32, #tpu.memory_space<vmem>>) semaphore(%arg17 : memref<!tpu.dma_semaphore, #tpu.memory_space<semaphore_mem>>)
    %dma_wait3A_115 = arith.constant 2 : i32
    %dma_wait3A_116 = arith.constant 0 : i32
    %dma_wait3A_117 = tpu.memref_slice %arg8[%dma_wait3A_115, %dma_wait3A_116] : memref<4x128xi32, #tpu.memory_space<vmem>> -> memref<1x128xi32, #tpu.memory_space<vmem>>
    %dma_wait3A_118 = tpu.memref_squeeze %dma_wait3A_117 : memref<1x128xi32, #tpu.memory_space<vmem>> -> memref<128xi32, #tpu.memory_space<vmem>>
    %dma_wait3A_119 = arith.constant 0 : i32
    %dma_wait3A_120 = arith.constant 0 : i32
    %dma_wait3A_121 = tpu.memref_slice %arg4[%dma_wait3A_119, %dma_wait3A_120] : memref<100000x128xf32, #tpu.memory_space<hbm>> -> memref<100000x128xf32, #tpu.memory_space<hbm>>
    tpu.wait_indirect_dma semaphore(%arg18 : memref<!tpu.dma_semaphore, #tpu.memory_space<semaphore_mem>>) src(%dma_wait3A_121 : memref<100000x128xf32, #tpu.memory_space<hbm>>) dst(%arg12 : memref<128x128xf32, #tpu.memory_space<vmem>>)
    %add3A_122 = arith.constant 2 : i32
    %add3A_123 = arith.addi %mul3A_2, %add3A_122 : i32
    %mul3A_124 = arith.constant 128 : i32
    %mul3A_125 = arith.muli %add3A_123, %mul3A_124 : i32
    %dma_start3A_126 = arith.constant 0 : i32
    %dma_start3A_127 = tpu.memref_slice %arg6[%mul3A_125, %dma_start3A_126] : memref<16384x128xf32, #tpu.memory_space<hbm>> -> memref<128x128xf32, #tpu.memory_space<hbm>>
    %dma_start3A_128 = arith.constant 0 : i32
    %dma_start3A_129 = tpu.memref_slice %arg6[%mul3A_125, %dma_start3A_128] : memref<16384x128xf32, #tpu.memory_space<hbm>> -> memref<128x128xf32, #tpu.memory_space<hbm>>
    tpu.enqueue_dma source(%arg12 : memref<128x128xf32, #tpu.memory_space<vmem>>) target(%dma_start3A_129 : memref<128x128xf32, #tpu.memory_space<hbm>>) target_semaphore(%arg24 : memref<!tpu.dma_semaphore, #tpu.memory_space<semaphore_mem>>)
    %dma_wait3A_130 = arith.constant 3 : i32
    %dma_wait3A_131 = arith.constant 0 : i32
    %dma_wait3A_132 = tpu.memref_slice %arg8[%dma_wait3A_130, %dma_wait3A_131] : memref<4x128xi32, #tpu.memory_space<vmem>> -> memref<1x128xi32, #tpu.memory_space<vmem>>
    %dma_wait3A_133 = tpu.memref_squeeze %dma_wait3A_132 : memref<1x128xi32, #tpu.memory_space<vmem>> -> memref<128xi32, #tpu.memory_space<vmem>>
    %dma_wait3A_134 = arith.constant 0 : i32
    %dma_wait3A_135 = arith.constant 0 : i32
    %dma_wait3A_136 = tpu.memref_slice %arg4[%dma_wait3A_134, %dma_wait3A_135] : memref<100000x128xf32, #tpu.memory_space<hbm>> -> memref<100000x128xf32, #tpu.memory_space<hbm>>
    tpu.wait_indirect_dma semaphore(%arg19 : memref<!tpu.dma_semaphore, #tpu.memory_space<semaphore_mem>>) src(%dma_wait3A_136 : memref<100000x128xf32, #tpu.memory_space<hbm>>) dst(%arg13 : memref<128x128xf32, #tpu.memory_space<vmem>>)
    %add3A_137 = arith.constant 3 : i32
    %add3A_138 = arith.addi %mul3A_2, %add3A_137 : i32
    %mul3A_139 = arith.constant 128 : i32
    %mul3A_140 = arith.muli %add3A_138, %mul3A_139 : i32
    %dma_start3A_141 = arith.constant 0 : i32
    %dma_start3A_142 = tpu.memref_slice %arg6[%mul3A_140, %dma_start3A_141] : memref<16384x128xf32, #tpu.memory_space<hbm>> -> memref<128x128xf32, #tpu.memory_space<hbm>>
    %dma_start3A_143 = arith.constant 0 : i32
    %dma_start3A_144 = tpu.memref_slice %arg6[%mul3A_140, %dma_start3A_143] : memref<16384x128xf32, #tpu.memory_space<hbm>> -> memref<128x128xf32, #tpu.memory_space<hbm>>
    tpu.enqueue_dma source(%arg13 : memref<128x128xf32, #tpu.memory_space<vmem>>) target(%dma_start3A_144 : memref<128x128xf32, #tpu.memory_space<hbm>>) target_semaphore(%arg25 : memref<!tpu.dma_semaphore, #tpu.memory_space<semaphore_mem>>)
    %dma_wait3A_145 = arith.constant 0 : i32
    %dma_wait3A_146 = arith.constant 0 : i32
    %dma_wait3A_147 = tpu.memref_slice %arg9[%dma_wait3A_145, %dma_wait3A_146] : memref<4x128xi32, #tpu.memory_space<vmem>> -> memref<1x128xi32, #tpu.memory_space<vmem>>
    %dma_wait3A_148 = tpu.memref_squeeze %dma_wait3A_147 : memref<1x128xi32, #tpu.memory_space<vmem>> -> memref<128xi32, #tpu.memory_space<vmem>>
    %dma_wait3A_149 = arith.constant 0 : i32
    %dma_wait3A_150 = arith.constant 0 : i32
    %dma_wait3A_151 = tpu.memref_slice %arg5[%dma_wait3A_149, %dma_wait3A_150] : memref<100000x128xf32, #tpu.memory_space<hbm>> -> memref<100000x128xf32, #tpu.memory_space<hbm>>
    tpu.wait_indirect_dma semaphore(%arg20 : memref<!tpu.dma_semaphore, #tpu.memory_space<semaphore_mem>>) src(%dma_wait3A_151 : memref<100000x128xf32, #tpu.memory_space<hbm>>) dst(%arg14 : memref<128x128xf32, #tpu.memory_space<vmem>>)
    %add3A_152 = arith.constant 0 : i32
    %add3A_153 = arith.addi %mul3A_2, %add3A_152 : i32
    %mul3A_154 = arith.constant 128 : i32
    %mul3A_155 = arith.muli %add3A_153, %mul3A_154 : i32
    %dma_start3A_156 = arith.constant 0 : i32
    %dma_start3A_157 = tpu.memref_slice %arg7[%mul3A_155, %dma_start3A_156] : memref<16384x128xf32, #tpu.memory_space<hbm>> -> memref<128x128xf32, #tpu.memory_space<hbm>>
    %dma_start3A_158 = arith.constant 0 : i32
    %dma_start3A_159 = tpu.memref_slice %arg7[%mul3A_155, %dma_start3A_158] : memref<16384x128xf32, #tpu.memory_space<hbm>> -> memref<128x128xf32, #tpu.memory_space<hbm>>
    tpu.enqueue_dma source(%arg14 : memref<128x128xf32, #tpu.memory_space<vmem>>) target(%dma_start3A_159 : memref<128x128xf32, #tpu.memory_space<hbm>>) target_semaphore(%arg26 : memref<!tpu.dma_semaphore, #tpu.memory_space<semaphore_mem>>)
    %dma_wait3A_160 = arith.constant 1 : i32
    %dma_wait3A_161 = arith.constant 0 : i32
    %dma_wait3A_162 = tpu.memref_slice %arg9[%dma_wait3A_160, %dma_wait3A_161] : memref<4x128xi32, #tpu.memory_space<vmem>> -> memref<1x128xi32, #tpu.memory_space<vmem>>
    %dma_wait3A_163 = tpu.memref_squeeze %dma_wait3A_162 : memref<1x128xi32, #tpu.memory_space<vmem>> -> memref<128xi32, #tpu.memory_space<vmem>>
    %dma_wait3A_164 = arith.constant 0 : i32
    %dma_wait3A_165 = arith.constant 0 : i32
    %dma_wait3A_166 = tpu.memref_slice %arg5[%dma_wait3A_164, %dma_wait3A_165] : memref<100000x128xf32, #tpu.memory_space<hbm>> -> memref<100000x128xf32, #tpu.memory_space<hbm>>
    tpu.wait_indirect_dma semaphore(%arg21 : memref<!tpu.dma_semaphore, #tpu.memory_space<semaphore_mem>>) src(%dma_wait3A_166 : memref<100000x128xf32, #tpu.memory_space<hbm>>) dst(%arg15 : memref<128x128xf32, #tpu.memory_space<vmem>>)
    %add3A_167 = arith.constant 1 : i32
    %add3A_168 = arith.addi %mul3A_2, %add3A_167 : i32
    %mul3A_169 = arith.constant 128 : i32
    %mul3A_170 = arith.muli %add3A_168, %mul3A_169 : i32
    %dma_start3A_171 = arith.constant 0 : i32
    %dma_start3A_172 = tpu.memref_slice %arg7[%mul3A_170, %dma_start3A_171] : memref<16384x128xf32, #tpu.memory_space<hbm>> -> memref<128x128xf32, #tpu.memory_space<hbm>>
    %dma_start3A_173 = arith.constant 0 : i32
    %dma_start3A_174 = tpu.memref_slice %arg7[%mul3A_170, %dma_start3A_173] : memref<16384x128xf32, #tpu.memory_space<hbm>> -> memref<128x128xf32, #tpu.memory_space<hbm>>
    tpu.enqueue_dma source(%arg15 : memref<128x128xf32, #tpu.memory_space<vmem>>) target(%dma_start3A_174 : memref<128x128xf32, #tpu.memory_space<hbm>>) target_semaphore(%arg27 : memref<!tpu.dma_semaphore, #tpu.memory_space<semaphore_mem>>)
    %dma_wait3A_175 = arith.constant 2 : i32
    %dma_wait3A_176 = arith.constant 0 : i32
    %dma_wait3A_177 = tpu.memref_slice %arg9[%dma_wait3A_175, %dma_wait3A_176] : memref<4x128xi32, #tpu.memory_space<vmem>> -> memref<1x128xi32, #tpu.memory_space<vmem>>
    %dma_wait3A_178 = tpu.memref_squeeze %dma_wait3A_177 : memref<1x128xi32, #tpu.memory_space<vmem>> -> memref<128xi32, #tpu.memory_space<vmem>>
    %dma_wait3A_179 = arith.constant 0 : i32
    %dma_wait3A_180 = arith.constant 0 : i32
    %dma_wait3A_181 = tpu.memref_slice %arg5[%dma_wait3A_179, %dma_wait3A_180] : memref<100000x128xf32, #tpu.memory_space<hbm>> -> memref<100000x128xf32, #tpu.memory_space<hbm>>
    tpu.wait_indirect_dma semaphore(%arg16 : memref<!tpu.dma_semaphore, #tpu.memory_space<semaphore_mem>>) src(%dma_wait3A_181 : memref<100000x128xf32, #tpu.memory_space<hbm>>) dst(%arg10 : memref<128x128xf32, #tpu.memory_space<vmem>>)
    %add3A_182 = arith.constant 2 : i32
    %add3A_183 = arith.addi %mul3A_2, %add3A_182 : i32
    %mul3A_184 = arith.constant 128 : i32
    %mul3A_185 = arith.muli %add3A_183, %mul3A_184 : i32
    %dma_start3A_186 = arith.constant 0 : i32
    %dma_start3A_187 = tpu.memref_slice %arg7[%mul3A_185, %dma_start3A_186] : memref<16384x128xf32, #tpu.memory_space<hbm>> -> memref<128x128xf32, #tpu.memory_space<hbm>>
    %dma_start3A_188 = arith.constant 0 : i32
    %dma_start3A_189 = tpu.memref_slice %arg7[%mul3A_185, %dma_start3A_188] : memref<16384x128xf32, #tpu.memory_space<hbm>> -> memref<128x128xf32, #tpu.memory_space<hbm>>
    tpu.enqueue_dma source(%arg10 : memref<128x128xf32, #tpu.memory_space<vmem>>) target(%dma_start3A_189 : memref<128x128xf32, #tpu.memory_space<hbm>>) target_semaphore(%arg22 : memref<!tpu.dma_semaphore, #tpu.memory_space<semaphore_mem>>)
    %dma_wait3A_190 = arith.constant 3 : i32
    %dma_wait3A_191 = arith.constant 0 : i32
    %dma_wait3A_192 = tpu.memref_slice %arg9[%dma_wait3A_190, %dma_wait3A_191] : memref<4x128xi32, #tpu.memory_space<vmem>> -> memref<1x128xi32, #tpu.memory_space<vmem>>
    %dma_wait3A_193 = tpu.memref_squeeze %dma_wait3A_192 : memref<1x128xi32, #tpu.memory_space<vmem>> -> memref<128xi32, #tpu.memory_space<vmem>>
    %dma_wait3A_194 = arith.constant 0 : i32
    %dma_wait3A_195 = arith.constant 0 : i32
    %dma_wait3A_196 = tpu.memref_slice %arg5[%dma_wait3A_194, %dma_wait3A_195] : memref<100000x128xf32, #tpu.memory_space<hbm>> -> memref<100000x128xf32, #tpu.memory_space<hbm>>
    tpu.wait_indirect_dma semaphore(%arg17 : memref<!tpu.dma_semaphore, #tpu.memory_space<semaphore_mem>>) src(%dma_wait3A_196 : memref<100000x128xf32, #tpu.memory_space<hbm>>) dst(%arg11 : memref<128x128xf32, #tpu.memory_space<vmem>>)
    %add3A_197 = arith.constant 3 : i32
    %add3A_198 = arith.addi %mul3A_2, %add3A_197 : i32
    %mul3A_199 = arith.constant 128 : i32
    %mul3A_200 = arith.muli %add3A_198, %mul3A_199 : i32
    %dma_start3A_201 = arith.constant 0 : i32
    %dma_start3A_202 = tpu.memref_slice %arg7[%mul3A_200, %dma_start3A_201] : memref<16384x128xf32, #tpu.memory_space<hbm>> -> memref<128x128xf32, #tpu.memory_space<hbm>>
    %dma_start3A_203 = arith.constant 0 : i32
    %dma_start3A_204 = tpu.memref_slice %arg7[%mul3A_200, %dma_start3A_203] : memref<16384x128xf32, #tpu.memory_space<hbm>> -> memref<128x128xf32, #tpu.memory_space<hbm>>
    tpu.enqueue_dma source(%arg11 : memref<128x128xf32, #tpu.memory_space<vmem>>) target(%dma_start3A_204 : memref<128x128xf32, #tpu.memory_space<hbm>>) target_semaphore(%arg23 : memref<!tpu.dma_semaphore, #tpu.memory_space<semaphore_mem>>)
    %dma_wait3A_205 = arith.constant 0 : i32
    %dma_wait3A_206 = tpu.memref_slice %arg6[%mul3A_125, %dma_wait3A_205] : memref<16384x128xf32, #tpu.memory_space<hbm>> -> memref<128x128xf32, #tpu.memory_space<hbm>>
    %dma_wait3A_207 = arith.constant 0 : i32
    %dma_wait3A_208 = tpu.memref_slice %arg6[%mul3A_125, %dma_wait3A_207] : memref<16384x128xf32, #tpu.memory_space<hbm>> -> memref<128x128xf32, #tpu.memory_space<hbm>>
    tpu.wait_dma2 semaphore(%arg24 : memref<!tpu.dma_semaphore, #tpu.memory_space<semaphore_mem>>) src(%arg12 : memref<128x128xf32, #tpu.memory_space<vmem>>) dst(%dma_wait3A_208 : memref<128x128xf32, #tpu.memory_space<hbm>>)
    %dma_wait3A_209 = arith.constant 0 : i32
    %dma_wait3A_210 = tpu.memref_slice %arg6[%mul3A_140, %dma_wait3A_209] : memref<16384x128xf32, #tpu.memory_space<hbm>> -> memref<128x128xf32, #tpu.memory_space<hbm>>
    %dma_wait3A_211 = arith.constant 0 : i32
    %dma_wait3A_212 = tpu.memref_slice %arg6[%mul3A_140, %dma_wait3A_211] : memref<16384x128xf32, #tpu.memory_space<hbm>> -> memref<128x128xf32, #tpu.memory_space<hbm>>
    tpu.wait_dma2 semaphore(%arg25 : memref<!tpu.dma_semaphore, #tpu.memory_space<semaphore_mem>>) src(%arg13 : memref<128x128xf32, #tpu.memory_space<vmem>>) dst(%dma_wait3A_212 : memref<128x128xf32, #tpu.memory_space<hbm>>)
    %dma_wait3A_213 = arith.constant 0 : i32
    %dma_wait3A_214 = tpu.memref_slice %arg7[%mul3A_155, %dma_wait3A_213] : memref<16384x128xf32, #tpu.memory_space<hbm>> -> memref<128x128xf32, #tpu.memory_space<hbm>>
    %dma_wait3A_215 = arith.constant 0 : i32
    %dma_wait3A_216 = tpu.memref_slice %arg7[%mul3A_155, %dma_wait3A_215] : memref<16384x128xf32, #tpu.memory_space<hbm>> -> memref<128x128xf32, #tpu.memory_space<hbm>>
    tpu.wait_dma2 semaphore(%arg26 : memref<!tpu.dma_semaphore, #tpu.memory_space<semaphore_mem>>) src(%arg14 : memref<128x128xf32, #tpu.memory_space<vmem>>) dst(%dma_wait3A_216 : memref<128x128xf32, #tpu.memory_space<hbm>>)
    %dma_wait3A_217 = arith.constant 0 : i32
    %dma_wait3A_218 = tpu.memref_slice %arg7[%mul3A_170, %dma_wait3A_217] : memref<16384x128xf32, #tpu.memory_space<hbm>> -> memref<128x128xf32, #tpu.memory_space<hbm>>
    %dma_wait3A_219 = arith.constant 0 : i32
    %dma_wait3A_220 = tpu.memref_slice %arg7[%mul3A_170, %dma_wait3A_219] : memref<16384x128xf32, #tpu.memory_space<hbm>> -> memref<128x128xf32, #tpu.memory_space<hbm>>
    tpu.wait_dma2 semaphore(%arg27 : memref<!tpu.dma_semaphore, #tpu.memory_space<semaphore_mem>>) src(%arg15 : memref<128x128xf32, #tpu.memory_space<vmem>>) dst(%dma_wait3A_220 : memref<128x128xf32, #tpu.memory_space<hbm>>)
    %dma_wait3A_221 = arith.constant 0 : i32
    %dma_wait3A_222 = tpu.memref_slice %arg7[%mul3A_185, %dma_wait3A_221] : memref<16384x128xf32, #tpu.memory_space<hbm>> -> memref<128x128xf32, #tpu.memory_space<hbm>>
    %dma_wait3A_223 = arith.constant 0 : i32
    %dma_wait3A_224 = tpu.memref_slice %arg7[%mul3A_185, %dma_wait3A_223] : memref<16384x128xf32, #tpu.memory_space<hbm>> -> memref<128x128xf32, #tpu.memory_space<hbm>>
    tpu.wait_dma2 semaphore(%arg22 : memref<!tpu.dma_semaphore, #tpu.memory_space<semaphore_mem>>) src(%arg10 : memref<128x128xf32, #tpu.memory_space<vmem>>) dst(%dma_wait3A_224 : memref<128x128xf32, #tpu.memory_space<hbm>>)
    %dma_wait3A_225 = arith.constant 0 : i32
    %dma_wait3A_226 = tpu.memref_slice %arg7[%mul3A_200, %dma_wait3A_225] : memref<16384x128xf32, #tpu.memory_space<hbm>> -> memref<128x128xf32, #tpu.memory_space<hbm>>
    %dma_wait3A_227 = arith.constant 0 : i32
    %dma_wait3A_228 = tpu.memref_slice %arg7[%mul3A_200, %dma_wait3A_227] : memref<16384x128xf32, #tpu.memory_space<hbm>> -> memref<128x128xf32, #tpu.memory_space<hbm>>
    tpu.wait_dma2 semaphore(%arg23 : memref<!tpu.dma_semaphore, #tpu.memory_space<semaphore_mem>>) src(%arg11 : memref<128x128xf32, #tpu.memory_space<vmem>>) dst(%dma_wait3A_228 : memref<128x128xf32, #tpu.memory_space<hbm>>)
    return
  }
}

module attributes {stable_mosaic.version = 14 : i64} {
  func.func @_mlp_body(%arg0: i32, %arg1: memref<4096x128xf32, #tpu.memory_space<vmem>>, %arg2: memref<4096x128xf32, #tpu.memory_space<vmem>>, %arg3: memref<128x128xf32, #tpu.memory_space<vmem>>, %arg4: memref<128x128xf32, #tpu.memory_space<vmem>>, %arg5: memref<1x128xf32, #tpu.memory_space<vmem>>, %arg6: memref<64x128xf32, #tpu.memory_space<vmem>>, %arg7: memref<1x64xf32, #tpu.memory_space<vmem>>, %arg8: memref<1x64xf32, #tpu.memory_space<vmem>>, %arg9: memref<1xf32, #tpu.memory_space<smem>>, %arg10: memref<32x128xf32, #tpu.memory_space<vmem>>) attributes {dimension_semantics = [#tpu.dimension_semantics<arbitrary>], iteration_bounds = array<i64: 4>, scalar_prefetch = 0 : i64, scratch_operands = 0 : i64, tpu.core_type = #tpu.core_type<tc>, window_params = [{transform_indices = @transform_0, window_bounds = array<i64: 4096, 128>}, {transform_indices = @transform_1, window_bounds = array<i64: 4096, 128>}, {transform_indices = @transform_2, window_bounds = array<i64: 128, 128>}, {transform_indices = @transform_3, window_bounds = array<i64: 128, 128>}, {pipeline_mode = #tpu.pipeline_mode<synchronous>, transform_indices = @transform_4, window_bounds = array<i64: 1, 128>}, {pipeline_mode = #tpu.pipeline_mode<synchronous>, transform_indices = @transform_5, window_bounds = array<i64: 64, 128>}, {pipeline_mode = #tpu.pipeline_mode<synchronous>, transform_indices = @transform_6, window_bounds = array<i64: 1, 64>}, {pipeline_mode = #tpu.pipeline_mode<synchronous>, transform_indices = @transform_7, window_bounds = array<i64: 1, 64>}, {transform_indices = @transform_8, window_bounds = array<i64: 1>}, {transform_indices = @transform_9, window_bounds = array<i64: 32, 128>}]} {
    %get3A = arith.constant 0 : index
    %get3A_0 = arith.constant 0 : index
    %get3A_1 = vector.load %arg1[%get3A, %get3A_0] : memref<4096x128xf32, #tpu.memory_space<vmem>>, vector<4096x128xf32>
    %get3A_2 = arith.constant 0 : index
    %get3A_3 = arith.constant 0 : index
    %get3A_4 = vector.load %arg3[%get3A_2, %get3A_3] : memref<128x128xf32, #tpu.memory_space<vmem>>, vector<128x128xf32>
    %dot_general3A = arith.constant dense<0.000000e+00> : vector<4096x128xf32>
    %dot_general3A_5 = tpu.matmul %get3A_1, %get3A_4, %dot_general3A {dimension_numbers = #tpu.dot_dimension_numbers<[1], [1], [0], [0], [0, 0, 1, 0], [], []>, transpose_lhs_hint = false} : vector<4096x128xf32>, vector<128x128xf32>, vector<4096x128xf32> -> vector<4096x128xf32>
    %get3A_6 = arith.constant 0 : index
    %get3A_7 = arith.constant 0 : index
    %get3A_8 = vector.load %arg2[%get3A_6, %get3A_7] : memref<4096x128xf32, #tpu.memory_space<vmem>>, vector<4096x128xf32>
    %get3A_9 = arith.constant 0 : index
    %get3A_10 = arith.constant 0 : index
    %get3A_11 = vector.load %arg4[%get3A_9, %get3A_10] : memref<128x128xf32, #tpu.memory_space<vmem>>, vector<128x128xf32>
    %dot_general3A_12 = arith.constant dense<0.000000e+00> : vector<4096x128xf32>
    %dot_general3A_13 = tpu.matmul %get3A_8, %get3A_11, %dot_general3A_12 {dimension_numbers = #tpu.dot_dimension_numbers<[1], [1], [0], [0], [0, 0, 1, 0], [], []>, transpose_lhs_hint = false} : vector<4096x128xf32>, vector<128x128xf32>, vector<4096x128xf32> -> vector<4096x128xf32>
    %add3A = arith.addf %dot_general3A_5, %dot_general3A_13 : vector<4096x128xf32>
    %get3A_14 = arith.constant 0 : index
    %get3A_15 = arith.constant 0 : index
    %get3A_16 = vector.load %arg5[%get3A_14, %get3A_15] : memref<1x128xf32, #tpu.memory_space<vmem>>, vector<1x128xf32>
    %add3A_17 = vector.broadcast %get3A_16 : vector<1x128xf32> to vector<4096x128xf32>
    %add3A_18 = arith.addf %add3A, %add3A_17 : vector<4096x128xf32>
    %max3A = arith.constant 0.000000e+00 : f32
    %max3A_19 = vector.broadcast %max3A : f32 to vector<4096x128xf32>
    %max3A_20 = arith.maximumf %add3A_18, %max3A_19 : vector<4096x128xf32>
    %get3A_21 = arith.constant 0 : index
    %get3A_22 = arith.constant 0 : index
    %get3A_23 = vector.load %arg6[%get3A_21, %get3A_22] : memref<64x128xf32, #tpu.memory_space<vmem>>, vector<64x128xf32>
    %dot_general3A_24 = arith.constant dense<0.000000e+00> : vector<4096x64xf32>
    %dot_general3A_25 = tpu.matmul %max3A_20, %get3A_23, %dot_general3A_24 {dimension_numbers = #tpu.dot_dimension_numbers<[1], [1], [0], [0], [0, 0, 1, 0], [], []>, transpose_lhs_hint = false} : vector<4096x128xf32>, vector<64x128xf32>, vector<4096x64xf32> -> vector<4096x64xf32>
    %get3A_26 = arith.constant 0 : index
    %get3A_27 = arith.constant 0 : index
    %get3A_28 = vector.load %arg7[%get3A_26, %get3A_27] : memref<1x64xf32, #tpu.memory_space<vmem>>, vector<1x64xf32>
    %add3A_29 = vector.broadcast %get3A_28 : vector<1x64xf32> to vector<4096x64xf32>
    %add3A_30 = arith.addf %dot_general3A_25, %add3A_29 : vector<4096x64xf32>
    %max3A_31 = arith.constant 0.000000e+00 : f32
    %max3A_32 = vector.broadcast %max3A_31 : f32 to vector<4096x64xf32>
    %max3A_33 = arith.maximumf %add3A_30, %max3A_32 : vector<4096x64xf32>
    %get3A_34 = arith.constant 0 : index
    %get3A_35 = arith.constant 0 : index
    %get3A_36 = vector.load %arg8[%get3A_34, %get3A_35] : memref<1x64xf32, #tpu.memory_space<vmem>>, vector<1x64xf32>
    %get3A_37 = arith.constant 0 : index
    %get3A_38 = memref.load %arg9[%get3A_37] : memref<1xf32, #tpu.memory_space<smem>>
    %slice3A = vector.extract_strided_slice %max3A_33 {offsets = [0, 0], sizes = [128, 64], strides = [1, 1]} : vector<4096x64xf32> to vector<128x64xf32>
    %dot_general3A_39 = arith.constant dense<0.000000e+00> : vector<1x128xf32>
    %dot_general3A_40 = tpu.matmul %get3A_36, %slice3A, %dot_general3A_39 {dimension_numbers = #tpu.dot_dimension_numbers<[1], [1], [0], [0], [0, 0, 1, 0], [], []>, transpose_lhs_hint = false} : vector<1x64xf32>, vector<128x64xf32>, vector<1x128xf32> -> vector<1x128xf32>
    %add3A_41 = vector.broadcast %get3A_38 : f32 to vector<1x128xf32>
    %add3A_42 = arith.addf %dot_general3A_40, %add3A_41 : vector<1x128xf32>
    %swap3A = arith.constant 0 : index
    %swap3A_43 = arith.constant 0 : index
    %swap3A_44 = vector.load %arg10[%swap3A, %swap3A_43] : memref<32x128xf32, #tpu.memory_space<vmem>>, vector<1x128xf32>
    tpu.vector_store %arg10[%swap3A, %swap3A_43], %add3A_42 {strides = array<i32>} : memref<32x128xf32, #tpu.memory_space<vmem>>, vector<1x128xf32>,
    %slice3A_45 = vector.extract_strided_slice %max3A_33 {offsets = [128, 0], sizes = [128, 64], strides = [1, 1]} : vector<4096x64xf32> to vector<128x64xf32>
    %dot_general3A_46 = arith.constant dense<0.000000e+00> : vector<1x128xf32>
    %dot_general3A_47 = tpu.matmul %get3A_36, %slice3A_45, %dot_general3A_46 {dimension_numbers = #tpu.dot_dimension_numbers<[1], [1], [0], [0], [0, 0, 1, 0], [], []>, transpose_lhs_hint = false} : vector<1x64xf32>, vector<128x64xf32>, vector<1x128xf32> -> vector<1x128xf32>
    %add3A_48 = vector.broadcast %get3A_38 : f32 to vector<1x128xf32>
    %add3A_49 = arith.addf %dot_general3A_47, %add3A_48 : vector<1x128xf32>
    %swap3A_50 = arith.constant 1 : index
    %swap3A_51 = arith.constant 0 : index
    %swap3A_52 = vector.load %arg10[%swap3A_50, %swap3A_51] : memref<32x128xf32, #tpu.memory_space<vmem>>, vector<1x128xf32>
    tpu.vector_store %arg10[%swap3A_50, %swap3A_51], %add3A_49 {strides = array<i32>} : memref<32x128xf32, #tpu.memory_space<vmem>>, vector<1x128xf32>,
    %slice3A_53 = vector.extract_strided_slice %max3A_33 {offsets = [256, 0], sizes = [128, 64], strides = [1, 1]} : vector<4096x64xf32> to vector<128x64xf32>
    %dot_general3A_54 = arith.constant dense<0.000000e+00> : vector<1x128xf32>
    %dot_general3A_55 = tpu.matmul %get3A_36, %slice3A_53, %dot_general3A_54 {dimension_numbers = #tpu.dot_dimension_numbers<[1], [1], [0], [0], [0, 0, 1, 0], [], []>, transpose_lhs_hint = false} : vector<1x64xf32>, vector<128x64xf32>, vector<1x128xf32> -> vector<1x128xf32>
    %add3A_56 = vector.broadcast %get3A_38 : f32 to vector<1x128xf32>
    %add3A_57 = arith.addf %dot_general3A_55, %add3A_56 : vector<1x128xf32>
    %swap3A_58 = arith.constant 2 : index
    %swap3A_59 = arith.constant 0 : index
    %swap3A_60 = vector.load %arg10[%swap3A_58, %swap3A_59] : memref<32x128xf32, #tpu.memory_space<vmem>>, vector<1x128xf32>
    tpu.vector_store %arg10[%swap3A_58, %swap3A_59], %add3A_57 {strides = array<i32>} : memref<32x128xf32, #tpu.memory_space<vmem>>, vector<1x128xf32>,
    %slice3A_61 = vector.extract_strided_slice %max3A_33 {offsets = [384, 0], sizes = [128, 64], strides = [1, 1]} : vector<4096x64xf32> to vector<128x64xf32>
    %dot_general3A_62 = arith.constant dense<0.000000e+00> : vector<1x128xf32>
    %dot_general3A_63 = tpu.matmul %get3A_36, %slice3A_61, %dot_general3A_62 {dimension_numbers = #tpu.dot_dimension_numbers<[1], [1], [0], [0], [0, 0, 1, 0], [], []>, transpose_lhs_hint = false} : vector<1x64xf32>, vector<128x64xf32>, vector<1x128xf32> -> vector<1x128xf32>
    %add3A_64 = vector.broadcast %get3A_38 : f32 to vector<1x128xf32>
    %add3A_65 = arith.addf %dot_general3A_63, %add3A_64 : vector<1x128xf32>
    %swap3A_66 = arith.constant 3 : index
    %swap3A_67 = arith.constant 0 : index
    %swap3A_68 = vector.load %arg10[%swap3A_66, %swap3A_67] : memref<32x128xf32, #tpu.memory_space<vmem>>, vector<1x128xf32>
    tpu.vector_store %arg10[%swap3A_66, %swap3A_67], %add3A_65 {strides = array<i32>} : memref<32x128xf32, #tpu.memory_space<vmem>>, vector<1x128xf32>,
    %slice3A_69 = vector.extract_strided_slice %max3A_33 {offsets = [512, 0], sizes = [128, 64], strides = [1, 1]} : vector<4096x64xf32> to vector<128x64xf32>
    %dot_general3A_70 = arith.constant dense<0.000000e+00> : vector<1x128xf32>
    %dot_general3A_71 = tpu.matmul %get3A_36, %slice3A_69, %dot_general3A_70 {dimension_numbers = #tpu.dot_dimension_numbers<[1], [1], [0], [0], [0, 0, 1, 0], [], []>, transpose_lhs_hint = false} : vector<1x64xf32>, vector<128x64xf32>, vector<1x128xf32> -> vector<1x128xf32>
    %add3A_72 = vector.broadcast %get3A_38 : f32 to vector<1x128xf32>
    %add3A_73 = arith.addf %dot_general3A_71, %add3A_72 : vector<1x128xf32>
    %swap3A_74 = arith.constant 4 : index
    %swap3A_75 = arith.constant 0 : index
    %swap3A_76 = vector.load %arg10[%swap3A_74, %swap3A_75] : memref<32x128xf32, #tpu.memory_space<vmem>>, vector<1x128xf32>
    tpu.vector_store %arg10[%swap3A_74, %swap3A_75], %add3A_73 {strides = array<i32>} : memref<32x128xf32, #tpu.memory_space<vmem>>, vector<1x128xf32>,
    %slice3A_77 = vector.extract_strided_slice %max3A_33 {offsets = [640, 0], sizes = [128, 64], strides = [1, 1]} : vector<4096x64xf32> to vector<128x64xf32>
    %dot_general3A_78 = arith.constant dense<0.000000e+00> : vector<1x128xf32>
    %dot_general3A_79 = tpu.matmul %get3A_36, %slice3A_77, %dot_general3A_78 {dimension_numbers = #tpu.dot_dimension_numbers<[1], [1], [0], [0], [0, 0, 1, 0], [], []>, transpose_lhs_hint = false} : vector<1x64xf32>, vector<128x64xf32>, vector<1x128xf32> -> vector<1x128xf32>
    %add3A_80 = vector.broadcast %get3A_38 : f32 to vector<1x128xf32>
    %add3A_81 = arith.addf %dot_general3A_79, %add3A_80 : vector<1x128xf32>
    %swap3A_82 = arith.constant 5 : index
    %swap3A_83 = arith.constant 0 : index
    %swap3A_84 = vector.load %arg10[%swap3A_82, %swap3A_83] : memref<32x128xf32, #tpu.memory_space<vmem>>, vector<1x128xf32>
    tpu.vector_store %arg10[%swap3A_82, %swap3A_83], %add3A_81 {strides = array<i32>} : memref<32x128xf32, #tpu.memory_space<vmem>>, vector<1x128xf32>,
    %slice3A_85 = vector.extract_strided_slice %max3A_33 {offsets = [768, 0], sizes = [128, 64], strides = [1, 1]} : vector<4096x64xf32> to vector<128x64xf32>
    %dot_general3A_86 = arith.constant dense<0.000000e+00> : vector<1x128xf32>
    %dot_general3A_87 = tpu.matmul %get3A_36, %slice3A_85, %dot_general3A_86 {dimension_numbers = #tpu.dot_dimension_numbers<[1], [1], [0], [0], [0, 0, 1, 0], [], []>, transpose_lhs_hint = false} : vector<1x64xf32>, vector<128x64xf32>, vector<1x128xf32> -> vector<1x128xf32>
    %add3A_88 = vector.broadcast %get3A_38 : f32 to vector<1x128xf32>
    %add3A_89 = arith.addf %dot_general3A_87, %add3A_88 : vector<1x128xf32>
    %swap3A_90 = arith.constant 6 : index
    %swap3A_91 = arith.constant 0 : index
    %swap3A_92 = vector.load %arg10[%swap3A_90, %swap3A_91] : memref<32x128xf32, #tpu.memory_space<vmem>>, vector<1x128xf32>
    tpu.vector_store %arg10[%swap3A_90, %swap3A_91], %add3A_89 {strides = array<i32>} : memref<32x128xf32, #tpu.memory_space<vmem>>, vector<1x128xf32>,
    %slice3A_93 = vector.extract_strided_slice %max3A_33 {offsets = [896, 0], sizes = [128, 64], strides = [1, 1]} : vector<4096x64xf32> to vector<128x64xf32>
    %dot_general3A_94 = arith.constant dense<0.000000e+00> : vector<1x128xf32>
    %dot_general3A_95 = tpu.matmul %get3A_36, %slice3A_93, %dot_general3A_94 {dimension_numbers = #tpu.dot_dimension_numbers<[1], [1], [0], [0], [0, 0, 1, 0], [], []>, transpose_lhs_hint = false} : vector<1x64xf32>, vector<128x64xf32>, vector<1x128xf32> -> vector<1x128xf32>
    %add3A_96 = vector.broadcast %get3A_38 : f32 to vector<1x128xf32>
    %add3A_97 = arith.addf %dot_general3A_95, %add3A_96 : vector<1x128xf32>
    %swap3A_98 = arith.constant 7 : index
    %swap3A_99 = arith.constant 0 : index
    %swap3A_100 = vector.load %arg10[%swap3A_98, %swap3A_99] : memref<32x128xf32, #tpu.memory_space<vmem>>, vector<1x128xf32>
    tpu.vector_store %arg10[%swap3A_98, %swap3A_99], %add3A_97 {strides = array<i32>} : memref<32x128xf32, #tpu.memory_space<vmem>>, vector<1x128xf32>,
    %slice3A_101 = vector.extract_strided_slice %max3A_33 {offsets = [1024, 0], sizes = [128, 64], strides = [1, 1]} : vector<4096x64xf32> to vector<128x64xf32>
    %dot_general3A_102 = arith.constant dense<0.000000e+00> : vector<1x128xf32>
    %dot_general3A_103 = tpu.matmul %get3A_36, %slice3A_101, %dot_general3A_102 {dimension_numbers = #tpu.dot_dimension_numbers<[1], [1], [0], [0], [0, 0, 1, 0], [], []>, transpose_lhs_hint = false} : vector<1x64xf32>, vector<128x64xf32>, vector<1x128xf32> -> vector<1x128xf32>
    %add3A_104 = vector.broadcast %get3A_38 : f32 to vector<1x128xf32>
    %add3A_105 = arith.addf %dot_general3A_103, %add3A_104 : vector<1x128xf32>
    %swap3A_106 = arith.constant 8 : index
    %swap3A_107 = arith.constant 0 : index
    %swap3A_108 = vector.load %arg10[%swap3A_106, %swap3A_107] : memref<32x128xf32, #tpu.memory_space<vmem>>, vector<1x128xf32>
    tpu.vector_store %arg10[%swap3A_106, %swap3A_107], %add3A_105 {strides = array<i32>} : memref<32x128xf32, #tpu.memory_space<vmem>>, vector<1x128xf32>,
    %slice3A_109 = vector.extract_strided_slice %max3A_33 {offsets = [1152, 0], sizes = [128, 64], strides = [1, 1]} : vector<4096x64xf32> to vector<128x64xf32>
    %dot_general3A_110 = arith.constant dense<0.000000e+00> : vector<1x128xf32>
    %dot_general3A_111 = tpu.matmul %get3A_36, %slice3A_109, %dot_general3A_110 {dimension_numbers = #tpu.dot_dimension_numbers<[1], [1], [0], [0], [0, 0, 1, 0], [], []>, transpose_lhs_hint = false} : vector<1x64xf32>, vector<128x64xf32>, vector<1x128xf32> -> vector<1x128xf32>
    %add3A_112 = vector.broadcast %get3A_38 : f32 to vector<1x128xf32>
    %add3A_113 = arith.addf %dot_general3A_111, %add3A_112 : vector<1x128xf32>
    %swap3A_114 = arith.constant 9 : index
    %swap3A_115 = arith.constant 0 : index
    %swap3A_116 = vector.load %arg10[%swap3A_114, %swap3A_115] : memref<32x128xf32, #tpu.memory_space<vmem>>, vector<1x128xf32>
    tpu.vector_store %arg10[%swap3A_114, %swap3A_115], %add3A_113 {strides = array<i32>} : memref<32x128xf32, #tpu.memory_space<vmem>>, vector<1x128xf32>,
    %slice3A_117 = vector.extract_strided_slice %max3A_33 {offsets = [1280, 0], sizes = [128, 64], strides = [1, 1]} : vector<4096x64xf32> to vector<128x64xf32>
    %dot_general3A_118 = arith.constant dense<0.000000e+00> : vector<1x128xf32>
    %dot_general3A_119 = tpu.matmul %get3A_36, %slice3A_117, %dot_general3A_118 {dimension_numbers = #tpu.dot_dimension_numbers<[1], [1], [0], [0], [0, 0, 1, 0], [], []>, transpose_lhs_hint = false} : vector<1x64xf32>, vector<128x64xf32>, vector<1x128xf32> -> vector<1x128xf32>
    %add3A_120 = vector.broadcast %get3A_38 : f32 to vector<1x128xf32>
    %add3A_121 = arith.addf %dot_general3A_119, %add3A_120 : vector<1x128xf32>
    %swap3A_122 = arith.constant 10 : index
    %swap3A_123 = arith.constant 0 : index
    %swap3A_124 = vector.load %arg10[%swap3A_122, %swap3A_123] : memref<32x128xf32, #tpu.memory_space<vmem>>, vector<1x128xf32>
    tpu.vector_store %arg10[%swap3A_122, %swap3A_123], %add3A_121 {strides = array<i32>} : memref<32x128xf32, #tpu.memory_space<vmem>>, vector<1x128xf32>,
    %slice3A_125 = vector.extract_strided_slice %max3A_33 {offsets = [1408, 0], sizes = [128, 64], strides = [1, 1]} : vector<4096x64xf32> to vector<128x64xf32>
    %dot_general3A_126 = arith.constant dense<0.000000e+00> : vector<1x128xf32>
    %dot_general3A_127 = tpu.matmul %get3A_36, %slice3A_125, %dot_general3A_126 {dimension_numbers = #tpu.dot_dimension_numbers<[1], [1], [0], [0], [0, 0, 1, 0], [], []>, transpose_lhs_hint = false} : vector<1x64xf32>, vector<128x64xf32>, vector<1x128xf32> -> vector<1x128xf32>
    %add3A_128 = vector.broadcast %get3A_38 : f32 to vector<1x128xf32>
    %add3A_129 = arith.addf %dot_general3A_127, %add3A_128 : vector<1x128xf32>
    %swap3A_130 = arith.constant 11 : index
    %swap3A_131 = arith.constant 0 : index
    %swap3A_132 = vector.load %arg10[%swap3A_130, %swap3A_131] : memref<32x128xf32, #tpu.memory_space<vmem>>, vector<1x128xf32>
    tpu.vector_store %arg10[%swap3A_130, %swap3A_131], %add3A_129 {strides = array<i32>} : memref<32x128xf32, #tpu.memory_space<vmem>>, vector<1x128xf32>,
    %slice3A_133 = vector.extract_strided_slice %max3A_33 {offsets = [1536, 0], sizes = [128, 64], strides = [1, 1]} : vector<4096x64xf32> to vector<128x64xf32>
    %dot_general3A_134 = arith.constant dense<0.000000e+00> : vector<1x128xf32>
    %dot_general3A_135 = tpu.matmul %get3A_36, %slice3A_133, %dot_general3A_134 {dimension_numbers = #tpu.dot_dimension_numbers<[1], [1], [0], [0], [0, 0, 1, 0], [], []>, transpose_lhs_hint = false} : vector<1x64xf32>, vector<128x64xf32>, vector<1x128xf32> -> vector<1x128xf32>
    %add3A_136 = vector.broadcast %get3A_38 : f32 to vector<1x128xf32>
    %add3A_137 = arith.addf %dot_general3A_135, %add3A_136 : vector<1x128xf32>
    %swap3A_138 = arith.constant 12 : index
    %swap3A_139 = arith.constant 0 : index
    %swap3A_140 = vector.load %arg10[%swap3A_138, %swap3A_139] : memref<32x128xf32, #tpu.memory_space<vmem>>, vector<1x128xf32>
    tpu.vector_store %arg10[%swap3A_138, %swap3A_139], %add3A_137 {strides = array<i32>} : memref<32x128xf32, #tpu.memory_space<vmem>>, vector<1x128xf32>,
    %slice3A_141 = vector.extract_strided_slice %max3A_33 {offsets = [1664, 0], sizes = [128, 64], strides = [1, 1]} : vector<4096x64xf32> to vector<128x64xf32>
    %dot_general3A_142 = arith.constant dense<0.000000e+00> : vector<1x128xf32>
    %dot_general3A_143 = tpu.matmul %get3A_36, %slice3A_141, %dot_general3A_142 {dimension_numbers = #tpu.dot_dimension_numbers<[1], [1], [0], [0], [0, 0, 1, 0], [], []>, transpose_lhs_hint = false} : vector<1x64xf32>, vector<128x64xf32>, vector<1x128xf32> -> vector<1x128xf32>
    %add3A_144 = vector.broadcast %get3A_38 : f32 to vector<1x128xf32>
    %add3A_145 = arith.addf %dot_general3A_143, %add3A_144 : vector<1x128xf32>
    %swap3A_146 = arith.constant 13 : index
    %swap3A_147 = arith.constant 0 : index
    %swap3A_148 = vector.load %arg10[%swap3A_146, %swap3A_147] : memref<32x128xf32, #tpu.memory_space<vmem>>, vector<1x128xf32>
    tpu.vector_store %arg10[%swap3A_146, %swap3A_147], %add3A_145 {strides = array<i32>} : memref<32x128xf32, #tpu.memory_space<vmem>>, vector<1x128xf32>,
    %slice3A_149 = vector.extract_strided_slice %max3A_33 {offsets = [1792, 0], sizes = [128, 64], strides = [1, 1]} : vector<4096x64xf32> to vector<128x64xf32>
    %dot_general3A_150 = arith.constant dense<0.000000e+00> : vector<1x128xf32>
    %dot_general3A_151 = tpu.matmul %get3A_36, %slice3A_149, %dot_general3A_150 {dimension_numbers = #tpu.dot_dimension_numbers<[1], [1], [0], [0], [0, 0, 1, 0], [], []>, transpose_lhs_hint = false} : vector<1x64xf32>, vector<128x64xf32>, vector<1x128xf32> -> vector<1x128xf32>
    %add3A_152 = vector.broadcast %get3A_38 : f32 to vector<1x128xf32>
    %add3A_153 = arith.addf %dot_general3A_151, %add3A_152 : vector<1x128xf32>
    %swap3A_154 = arith.constant 14 : index
    %swap3A_155 = arith.constant 0 : index
    %swap3A_156 = vector.load %arg10[%swap3A_154, %swap3A_155] : memref<32x128xf32, #tpu.memory_space<vmem>>, vector<1x128xf32>
    tpu.vector_store %arg10[%swap3A_154, %swap3A_155], %add3A_153 {strides = array<i32>} : memref<32x128xf32, #tpu.memory_space<vmem>>, vector<1x128xf32>,
    %slice3A_157 = vector.extract_strided_slice %max3A_33 {offsets = [1920, 0], sizes = [128, 64], strides = [1, 1]} : vector<4096x64xf32> to vector<128x64xf32>
    %dot_general3A_158 = arith.constant dense<0.000000e+00> : vector<1x128xf32>
    %dot_general3A_159 = tpu.matmul %get3A_36, %slice3A_157, %dot_general3A_158 {dimension_numbers = #tpu.dot_dimension_numbers<[1], [1], [0], [0], [0, 0, 1, 0], [], []>, transpose_lhs_hint = false} : vector<1x64xf32>, vector<128x64xf32>, vector<1x128xf32> -> vector<1x128xf32>
    %add3A_160 = vector.broadcast %get3A_38 : f32 to vector<1x128xf32>
    %add3A_161 = arith.addf %dot_general3A_159, %add3A_160 : vector<1x128xf32>
    %swap3A_162 = arith.constant 15 : index
    %swap3A_163 = arith.constant 0 : index
    %swap3A_164 = vector.load %arg10[%swap3A_162, %swap3A_163] : memref<32x128xf32, #tpu.memory_space<vmem>>, vector<1x128xf32>
    tpu.vector_store %arg10[%swap3A_162, %swap3A_163], %add3A_161 {strides = array<i32>} : memref<32x128xf32, #tpu.memory_space<vmem>>, vector<1x128xf32>,
    %slice3A_165 = vector.extract_strided_slice %max3A_33 {offsets = [2048, 0], sizes = [128, 64], strides = [1, 1]} : vector<4096x64xf32> to vector<128x64xf32>
    %dot_general3A_166 = arith.constant dense<0.000000e+00> : vector<1x128xf32>
    %dot_general3A_167 = tpu.matmul %get3A_36, %slice3A_165, %dot_general3A_166 {dimension_numbers = #tpu.dot_dimension_numbers<[1], [1], [0], [0], [0, 0, 1, 0], [], []>, transpose_lhs_hint = false} : vector<1x64xf32>, vector<128x64xf32>, vector<1x128xf32> -> vector<1x128xf32>
    %add3A_168 = vector.broadcast %get3A_38 : f32 to vector<1x128xf32>
    %add3A_169 = arith.addf %dot_general3A_167, %add3A_168 : vector<1x128xf32>
    %swap3A_170 = arith.constant 16 : index
    %swap3A_171 = arith.constant 0 : index
    %swap3A_172 = vector.load %arg10[%swap3A_170, %swap3A_171] : memref<32x128xf32, #tpu.memory_space<vmem>>, vector<1x128xf32>
    tpu.vector_store %arg10[%swap3A_170, %swap3A_171], %add3A_169 {strides = array<i32>} : memref<32x128xf32, #tpu.memory_space<vmem>>, vector<1x128xf32>,
    %slice3A_173 = vector.extract_strided_slice %max3A_33 {offsets = [2176, 0], sizes = [128, 64], strides = [1, 1]} : vector<4096x64xf32> to vector<128x64xf32>
    %dot_general3A_174 = arith.constant dense<0.000000e+00> : vector<1x128xf32>
    %dot_general3A_175 = tpu.matmul %get3A_36, %slice3A_173, %dot_general3A_174 {dimension_numbers = #tpu.dot_dimension_numbers<[1], [1], [0], [0], [0, 0, 1, 0], [], []>, transpose_lhs_hint = false} : vector<1x64xf32>, vector<128x64xf32>, vector<1x128xf32> -> vector<1x128xf32>
    %add3A_176 = vector.broadcast %get3A_38 : f32 to vector<1x128xf32>
    %add3A_177 = arith.addf %dot_general3A_175, %add3A_176 : vector<1x128xf32>
    %swap3A_178 = arith.constant 17 : index
    %swap3A_179 = arith.constant 0 : index
    %swap3A_180 = vector.load %arg10[%swap3A_178, %swap3A_179] : memref<32x128xf32, #tpu.memory_space<vmem>>, vector<1x128xf32>
    tpu.vector_store %arg10[%swap3A_178, %swap3A_179], %add3A_177 {strides = array<i32>} : memref<32x128xf32, #tpu.memory_space<vmem>>, vector<1x128xf32>,
    %slice3A_181 = vector.extract_strided_slice %max3A_33 {offsets = [2304, 0], sizes = [128, 64], strides = [1, 1]} : vector<4096x64xf32> to vector<128x64xf32>
    %dot_general3A_182 = arith.constant dense<0.000000e+00> : vector<1x128xf32>
    %dot_general3A_183 = tpu.matmul %get3A_36, %slice3A_181, %dot_general3A_182 {dimension_numbers = #tpu.dot_dimension_numbers<[1], [1], [0], [0], [0, 0, 1, 0], [], []>, transpose_lhs_hint = false} : vector<1x64xf32>, vector<128x64xf32>, vector<1x128xf32> -> vector<1x128xf32>
    %add3A_184 = vector.broadcast %get3A_38 : f32 to vector<1x128xf32>
    %add3A_185 = arith.addf %dot_general3A_183, %add3A_184 : vector<1x128xf32>
    %swap3A_186 = arith.constant 18 : index
    %swap3A_187 = arith.constant 0 : index
    %swap3A_188 = vector.load %arg10[%swap3A_186, %swap3A_187] : memref<32x128xf32, #tpu.memory_space<vmem>>, vector<1x128xf32>
    tpu.vector_store %arg10[%swap3A_186, %swap3A_187], %add3A_185 {strides = array<i32>} : memref<32x128xf32, #tpu.memory_space<vmem>>, vector<1x128xf32>,
    %slice3A_189 = vector.extract_strided_slice %max3A_33 {offsets = [2432, 0], sizes = [128, 64], strides = [1, 1]} : vector<4096x64xf32> to vector<128x64xf32>
    %dot_general3A_190 = arith.constant dense<0.000000e+00> : vector<1x128xf32>
    %dot_general3A_191 = tpu.matmul %get3A_36, %slice3A_189, %dot_general3A_190 {dimension_numbers = #tpu.dot_dimension_numbers<[1], [1], [0], [0], [0, 0, 1, 0], [], []>, transpose_lhs_hint = false} : vector<1x64xf32>, vector<128x64xf32>, vector<1x128xf32> -> vector<1x128xf32>
    %add3A_192 = vector.broadcast %get3A_38 : f32 to vector<1x128xf32>
    %add3A_193 = arith.addf %dot_general3A_191, %add3A_192 : vector<1x128xf32>
    %swap3A_194 = arith.constant 19 : index
    %swap3A_195 = arith.constant 0 : index
    %swap3A_196 = vector.load %arg10[%swap3A_194, %swap3A_195] : memref<32x128xf32, #tpu.memory_space<vmem>>, vector<1x128xf32>
    tpu.vector_store %arg10[%swap3A_194, %swap3A_195], %add3A_193 {strides = array<i32>} : memref<32x128xf32, #tpu.memory_space<vmem>>, vector<1x128xf32>,
    %slice3A_197 = vector.extract_strided_slice %max3A_33 {offsets = [2560, 0], sizes = [128, 64], strides = [1, 1]} : vector<4096x64xf32> to vector<128x64xf32>
    %dot_general3A_198 = arith.constant dense<0.000000e+00> : vector<1x128xf32>
    %dot_general3A_199 = tpu.matmul %get3A_36, %slice3A_197, %dot_general3A_198 {dimension_numbers = #tpu.dot_dimension_numbers<[1], [1], [0], [0], [0, 0, 1, 0], [], []>, transpose_lhs_hint = false} : vector<1x64xf32>, vector<128x64xf32>, vector<1x128xf32> -> vector<1x128xf32>
    %add3A_200 = vector.broadcast %get3A_38 : f32 to vector<1x128xf32>
    %add3A_201 = arith.addf %dot_general3A_199, %add3A_200 : vector<1x128xf32>
    %swap3A_202 = arith.constant 20 : index
    %swap3A_203 = arith.constant 0 : index
    %swap3A_204 = vector.load %arg10[%swap3A_202, %swap3A_203] : memref<32x128xf32, #tpu.memory_space<vmem>>, vector<1x128xf32>
    tpu.vector_store %arg10[%swap3A_202, %swap3A_203], %add3A_201 {strides = array<i32>} : memref<32x128xf32, #tpu.memory_space<vmem>>, vector<1x128xf32>,
    %slice3A_205 = vector.extract_strided_slice %max3A_33 {offsets = [2688, 0], sizes = [128, 64], strides = [1, 1]} : vector<4096x64xf32> to vector<128x64xf32>
    %dot_general3A_206 = arith.constant dense<0.000000e+00> : vector<1x128xf32>
    %dot_general3A_207 = tpu.matmul %get3A_36, %slice3A_205, %dot_general3A_206 {dimension_numbers = #tpu.dot_dimension_numbers<[1], [1], [0], [0], [0, 0, 1, 0], [], []>, transpose_lhs_hint = false} : vector<1x64xf32>, vector<128x64xf32>, vector<1x128xf32> -> vector<1x128xf32>
    %add3A_208 = vector.broadcast %get3A_38 : f32 to vector<1x128xf32>
    %add3A_209 = arith.addf %dot_general3A_207, %add3A_208 : vector<1x128xf32>
    %swap3A_210 = arith.constant 21 : index
    %swap3A_211 = arith.constant 0 : index
    %swap3A_212 = vector.load %arg10[%swap3A_210, %swap3A_211] : memref<32x128xf32, #tpu.memory_space<vmem>>, vector<1x128xf32>
    tpu.vector_store %arg10[%swap3A_210, %swap3A_211], %add3A_209 {strides = array<i32>} : memref<32x128xf32, #tpu.memory_space<vmem>>, vector<1x128xf32>,
    %slice3A_213 = vector.extract_strided_slice %max3A_33 {offsets = [2816, 0], sizes = [128, 64], strides = [1, 1]} : vector<4096x64xf32> to vector<128x64xf32>
    %dot_general3A_214 = arith.constant dense<0.000000e+00> : vector<1x128xf32>
    %dot_general3A_215 = tpu.matmul %get3A_36, %slice3A_213, %dot_general3A_214 {dimension_numbers = #tpu.dot_dimension_numbers<[1], [1], [0], [0], [0, 0, 1, 0], [], []>, transpose_lhs_hint = false} : vector<1x64xf32>, vector<128x64xf32>, vector<1x128xf32> -> vector<1x128xf32>
    %add3A_216 = vector.broadcast %get3A_38 : f32 to vector<1x128xf32>
    %add3A_217 = arith.addf %dot_general3A_215, %add3A_216 : vector<1x128xf32>
    %swap3A_218 = arith.constant 22 : index
    %swap3A_219 = arith.constant 0 : index
    %swap3A_220 = vector.load %arg10[%swap3A_218, %swap3A_219] : memref<32x128xf32, #tpu.memory_space<vmem>>, vector<1x128xf32>
    tpu.vector_store %arg10[%swap3A_218, %swap3A_219], %add3A_217 {strides = array<i32>} : memref<32x128xf32, #tpu.memory_space<vmem>>, vector<1x128xf32>,
    %slice3A_221 = vector.extract_strided_slice %max3A_33 {offsets = [2944, 0], sizes = [128, 64], strides = [1, 1]} : vector<4096x64xf32> to vector<128x64xf32>
    %dot_general3A_222 = arith.constant dense<0.000000e+00> : vector<1x128xf32>
    %dot_general3A_223 = tpu.matmul %get3A_36, %slice3A_221, %dot_general3A_222 {dimension_numbers = #tpu.dot_dimension_numbers<[1], [1], [0], [0], [0, 0, 1, 0], [], []>, transpose_lhs_hint = false} : vector<1x64xf32>, vector<128x64xf32>, vector<1x128xf32> -> vector<1x128xf32>
    %add3A_224 = vector.broadcast %get3A_38 : f32 to vector<1x128xf32>
    %add3A_225 = arith.addf %dot_general3A_223, %add3A_224 : vector<1x128xf32>
    %swap3A_226 = arith.constant 23 : index
    %swap3A_227 = arith.constant 0 : index
    %swap3A_228 = vector.load %arg10[%swap3A_226, %swap3A_227] : memref<32x128xf32, #tpu.memory_space<vmem>>, vector<1x128xf32>
    tpu.vector_store %arg10[%swap3A_226, %swap3A_227], %add3A_225 {strides = array<i32>} : memref<32x128xf32, #tpu.memory_space<vmem>>, vector<1x128xf32>,
    %slice3A_229 = vector.extract_strided_slice %max3A_33 {offsets = [3072, 0], sizes = [128, 64], strides = [1, 1]} : vector<4096x64xf32> to vector<128x64xf32>
    %dot_general3A_230 = arith.constant dense<0.000000e+00> : vector<1x128xf32>
    %dot_general3A_231 = tpu.matmul %get3A_36, %slice3A_229, %dot_general3A_230 {dimension_numbers = #tpu.dot_dimension_numbers<[1], [1], [0], [0], [0, 0, 1, 0], [], []>, transpose_lhs_hint = false} : vector<1x64xf32>, vector<128x64xf32>, vector<1x128xf32> -> vector<1x128xf32>
    %add3A_232 = vector.broadcast %get3A_38 : f32 to vector<1x128xf32>
    %add3A_233 = arith.addf %dot_general3A_231, %add3A_232 : vector<1x128xf32>
    %swap3A_234 = arith.constant 24 : index
    %swap3A_235 = arith.constant 0 : index
    %swap3A_236 = vector.load %arg10[%swap3A_234, %swap3A_235] : memref<32x128xf32, #tpu.memory_space<vmem>>, vector<1x128xf32>
    tpu.vector_store %arg10[%swap3A_234, %swap3A_235], %add3A_233 {strides = array<i32>} : memref<32x128xf32, #tpu.memory_space<vmem>>, vector<1x128xf32>,
    %slice3A_237 = vector.extract_strided_slice %max3A_33 {offsets = [3200, 0], sizes = [128, 64], strides = [1, 1]} : vector<4096x64xf32> to vector<128x64xf32>
    %dot_general3A_238 = arith.constant dense<0.000000e+00> : vector<1x128xf32>
    %dot_general3A_239 = tpu.matmul %get3A_36, %slice3A_237, %dot_general3A_238 {dimension_numbers = #tpu.dot_dimension_numbers<[1], [1], [0], [0], [0, 0, 1, 0], [], []>, transpose_lhs_hint = false} : vector<1x64xf32>, vector<128x64xf32>, vector<1x128xf32> -> vector<1x128xf32>
    %add3A_240 = vector.broadcast %get3A_38 : f32 to vector<1x128xf32>
    %add3A_241 = arith.addf %dot_general3A_239, %add3A_240 : vector<1x128xf32>
    %swap3A_242 = arith.constant 25 : index
    %swap3A_243 = arith.constant 0 : index
    %swap3A_244 = vector.load %arg10[%swap3A_242, %swap3A_243] : memref<32x128xf32, #tpu.memory_space<vmem>>, vector<1x128xf32>
    tpu.vector_store %arg10[%swap3A_242, %swap3A_243], %add3A_241 {strides = array<i32>} : memref<32x128xf32, #tpu.memory_space<vmem>>, vector<1x128xf32>,
    %slice3A_245 = vector.extract_strided_slice %max3A_33 {offsets = [3328, 0], sizes = [128, 64], strides = [1, 1]} : vector<4096x64xf32> to vector<128x64xf32>
    %dot_general3A_246 = arith.constant dense<0.000000e+00> : vector<1x128xf32>
    %dot_general3A_247 = tpu.matmul %get3A_36, %slice3A_245, %dot_general3A_246 {dimension_numbers = #tpu.dot_dimension_numbers<[1], [1], [0], [0], [0, 0, 1, 0], [], []>, transpose_lhs_hint = false} : vector<1x64xf32>, vector<128x64xf32>, vector<1x128xf32> -> vector<1x128xf32>
    %add3A_248 = vector.broadcast %get3A_38 : f32 to vector<1x128xf32>
    %add3A_249 = arith.addf %dot_general3A_247, %add3A_248 : vector<1x128xf32>
    %swap3A_250 = arith.constant 26 : index
    %swap3A_251 = arith.constant 0 : index
    %swap3A_252 = vector.load %arg10[%swap3A_250, %swap3A_251] : memref<32x128xf32, #tpu.memory_space<vmem>>, vector<1x128xf32>
    tpu.vector_store %arg10[%swap3A_250, %swap3A_251], %add3A_249 {strides = array<i32>} : memref<32x128xf32, #tpu.memory_space<vmem>>, vector<1x128xf32>,
    %slice3A_253 = vector.extract_strided_slice %max3A_33 {offsets = [3456, 0], sizes = [128, 64], strides = [1, 1]} : vector<4096x64xf32> to vector<128x64xf32>
    %dot_general3A_254 = arith.constant dense<0.000000e+00> : vector<1x128xf32>
    %dot_general3A_255 = tpu.matmul %get3A_36, %slice3A_253, %dot_general3A_254 {dimension_numbers = #tpu.dot_dimension_numbers<[1], [1], [0], [0], [0, 0, 1, 0], [], []>, transpose_lhs_hint = false} : vector<1x64xf32>, vector<128x64xf32>, vector<1x128xf32> -> vector<1x128xf32>
    %add3A_256 = vector.broadcast %get3A_38 : f32 to vector<1x128xf32>
    %add3A_257 = arith.addf %dot_general3A_255, %add3A_256 : vector<1x128xf32>
    %swap3A_258 = arith.constant 27 : index
    %swap3A_259 = arith.constant 0 : index
    %swap3A_260 = vector.load %arg10[%swap3A_258, %swap3A_259] : memref<32x128xf32, #tpu.memory_space<vmem>>, vector<1x128xf32>
    tpu.vector_store %arg10[%swap3A_258, %swap3A_259], %add3A_257 {strides = array<i32>} : memref<32x128xf32, #tpu.memory_space<vmem>>, vector<1x128xf32>,
    %slice3A_261 = vector.extract_strided_slice %max3A_33 {offsets = [3584, 0], sizes = [128, 64], strides = [1, 1]} : vector<4096x64xf32> to vector<128x64xf32>
    %dot_general3A_262 = arith.constant dense<0.000000e+00> : vector<1x128xf32>
    %dot_general3A_263 = tpu.matmul %get3A_36, %slice3A_261, %dot_general3A_262 {dimension_numbers = #tpu.dot_dimension_numbers<[1], [1], [0], [0], [0, 0, 1, 0], [], []>, transpose_lhs_hint = false} : vector<1x64xf32>, vector<128x64xf32>, vector<1x128xf32> -> vector<1x128xf32>
    %add3A_264 = vector.broadcast %get3A_38 : f32 to vector<1x128xf32>
    %add3A_265 = arith.addf %dot_general3A_263, %add3A_264 : vector<1x128xf32>
    %swap3A_266 = arith.constant 28 : index
    %swap3A_267 = arith.constant 0 : index
    %swap3A_268 = vector.load %arg10[%swap3A_266, %swap3A_267] : memref<32x128xf32, #tpu.memory_space<vmem>>, vector<1x128xf32>
    tpu.vector_store %arg10[%swap3A_266, %swap3A_267], %add3A_265 {strides = array<i32>} : memref<32x128xf32, #tpu.memory_space<vmem>>, vector<1x128xf32>,
    %slice3A_269 = vector.extract_strided_slice %max3A_33 {offsets = [3712, 0], sizes = [128, 64], strides = [1, 1]} : vector<4096x64xf32> to vector<128x64xf32>
    %dot_general3A_270 = arith.constant dense<0.000000e+00> : vector<1x128xf32>
    %dot_general3A_271 = tpu.matmul %get3A_36, %slice3A_269, %dot_general3A_270 {dimension_numbers = #tpu.dot_dimension_numbers<[1], [1], [0], [0], [0, 0, 1, 0], [], []>, transpose_lhs_hint = false} : vector<1x64xf32>, vector<128x64xf32>, vector<1x128xf32> -> vector<1x128xf32>
    %add3A_272 = vector.broadcast %get3A_38 : f32 to vector<1x128xf32>
    %add3A_273 = arith.addf %dot_general3A_271, %add3A_272 : vector<1x128xf32>
    %swap3A_274 = arith.constant 29 : index
    %swap3A_275 = arith.constant 0 : index
    %swap3A_276 = vector.load %arg10[%swap3A_274, %swap3A_275] : memref<32x128xf32, #tpu.memory_space<vmem>>, vector<1x128xf32>
    tpu.vector_store %arg10[%swap3A_274, %swap3A_275], %add3A_273 {strides = array<i32>} : memref<32x128xf32, #tpu.memory_space<vmem>>, vector<1x128xf32>,
    %slice3A_277 = vector.extract_strided_slice %max3A_33 {offsets = [3840, 0], sizes = [128, 64], strides = [1, 1]} : vector<4096x64xf32> to vector<128x64xf32>
    %dot_general3A_278 = arith.constant dense<0.000000e+00> : vector<1x128xf32>
    %dot_general3A_279 = tpu.matmul %get3A_36, %slice3A_277, %dot_general3A_278 {dimension_numbers = #tpu.dot_dimension_numbers<[1], [1], [0], [0], [0, 0, 1, 0], [], []>, transpose_lhs_hint = false} : vector<1x64xf32>, vector<128x64xf32>, vector<1x128xf32> -> vector<1x128xf32>
    %add3A_280 = vector.broadcast %get3A_38 : f32 to vector<1x128xf32>
    %add3A_281 = arith.addf %dot_general3A_279, %add3A_280 : vector<1x128xf32>
    %swap3A_282 = arith.constant 30 : index
    %swap3A_283 = arith.constant 0 : index
    %swap3A_284 = vector.load %arg10[%swap3A_282, %swap3A_283] : memref<32x128xf32, #tpu.memory_space<vmem>>, vector<1x128xf32>
    tpu.vector_store %arg10[%swap3A_282, %swap3A_283], %add3A_281 {strides = array<i32>} : memref<32x128xf32, #tpu.memory_space<vmem>>, vector<1x128xf32>,
    %slice3A_285 = vector.extract_strided_slice %max3A_33 {offsets = [3968, 0], sizes = [128, 64], strides = [1, 1]} : vector<4096x64xf32> to vector<128x64xf32>
    %dot_general3A_286 = arith.constant dense<0.000000e+00> : vector<1x128xf32>
    %dot_general3A_287 = tpu.matmul %get3A_36, %slice3A_285, %dot_general3A_286 {dimension_numbers = #tpu.dot_dimension_numbers<[1], [1], [0], [0], [0, 0, 1, 0], [], []>, transpose_lhs_hint = false} : vector<1x64xf32>, vector<128x64xf32>, vector<1x128xf32> -> vector<1x128xf32>
    %add3A_288 = vector.broadcast %get3A_38 : f32 to vector<1x128xf32>
    %add3A_289 = arith.addf %dot_general3A_287, %add3A_288 : vector<1x128xf32>
    %swap3A_290 = arith.constant 31 : index
    %swap3A_291 = arith.constant 0 : index
    %swap3A_292 = vector.load %arg10[%swap3A_290, %swap3A_291] : memref<32x128xf32, #tpu.memory_space<vmem>>, vector<1x128xf32>
    tpu.vector_store %arg10[%swap3A_290, %swap3A_291], %add3A_289 {strides = array<i32>} : memref<32x128xf32, #tpu.memory_space<vmem>>, vector<1x128xf32>,
    return
  }
  func.func @transform_0(%arg0: i32) -> (i32, i32) {
    %c0_i32 = arith.constant 0 : i32
    %c0_i32_0 = arith.constant 0 : i32
    return %arg0, %c0_i32 : i32, i32
  }
  func.func @transform_1(%arg0: i32) -> (i32, i32) {
    %c0_i32 = arith.constant 0 : i32
    %c0_i32_0 = arith.constant 0 : i32
    return %arg0, %c0_i32 : i32, i32
  }
  func.func @transform_2(%arg0: i32) -> (i32, i32) {
    %c0_i32 = arith.constant 0 : i32
    %c0_i32_0 = arith.constant 0 : i32
    %c0_i32_1 = arith.constant 0 : i32
    return %c0_i32, %c0_i32_0 : i32, i32
  }
  func.func @transform_3(%arg0: i32) -> (i32, i32) {
    %c0_i32 = arith.constant 0 : i32
    %c1_i32 = arith.constant 1 : i32
    %c0_i32_0 = arith.constant 0 : i32
    return %c0_i32, %c1_i32 : i32, i32
  }
  func.func @transform_4(%arg0: i32) -> (i32, i32) {
    %c0_i32 = arith.constant 0 : i32
    %c0_i32_0 = arith.constant 0 : i32
    %c0_i32_1 = arith.constant 0 : i32
    return %c0_i32, %c0_i32_0 : i32, i32
  }
  func.func @transform_5(%arg0: i32) -> (i32, i32) {
    %c0_i32 = arith.constant 0 : i32
    %c0_i32_0 = arith.constant 0 : i32
    %c0_i32_1 = arith.constant 0 : i32
    return %c0_i32, %c0_i32_0 : i32, i32
  }
  func.func @transform_6(%arg0: i32) -> (i32, i32) {
    %c0_i32 = arith.constant 0 : i32
    %c0_i32_0 = arith.constant 0 : i32
    %c0_i32_1 = arith.constant 0 : i32
    return %c0_i32, %c0_i32_0 : i32, i32
  }
  func.func @transform_7(%arg0: i32) -> (i32, i32) {
    %c0_i32 = arith.constant 0 : i32
    %c0_i32_0 = arith.constant 0 : i32
    %c0_i32_1 = arith.constant 0 : i32
    return %c0_i32, %c0_i32_0 : i32, i32
  }
  func.func @transform_8(%arg0: i32) -> i32 {
    %c0_i32 = arith.constant 0 : i32
    %c0_i32_0 = arith.constant 0 : i32
    return %c0_i32 : i32
  }
  func.func @transform_9(%arg0: i32) -> (i32, i32) {
    %c0_i32 = arith.constant 0 : i32
    %c0_i32_0 = arith.constant 0 : i32
    return %arg0, %c0_i32 : i32, i32
  }
}

</mosaic_0001>

<sc_bundles>
// kernel: kernel.4.cloned.1.call-start
scs
__scs_entry_jumppad:
0x0: {  	(pc) =	sbr.rel $0x88, $3  }
0x1: {  	(tag) =	ssettag $0x0;
	lr =	simm.s32 $0x1  }
0x2: {  	[smem:$0x3F97] =	sst lr;
	_ =	strace $0xD0000000  }
0x3: {  	_ = 	snop  }
0x4: {  	_ = 	snop  }
0x5: {  	_ = 	snop  }
0x6: {  	_ = 	snop  }
0x7: {  	_ = 	snop  }
__scs_overlays_trampoline_lowered:
0x8: {  	[smem:$0x3FA6] =	sst s0  }
0x9: {  	[smem:$0x3FA7] =	sst s1  }
0xa: {  	[smem:$0x3FA8] =	sst s2  }
0xb: {  	[smem:$0x3FA9] =	sst s3  }
0xc: {  	[smem:$0x3FAA] =	sst s4  }
0xd: {  	[smem:$0x3FAB] =	sst s5  }
0xe: {  	[smem:$0x3FAC] =	sst s6  }
0xf: {  	[smem:$0x3FAD] =	sst s7  }
0x10: {  	[smem:$0x3FAE] =	sst s8  }
0x11: {  	[smem:$0x3FAF] =	sst s9;
	s0 =	simm.s32 @!p0 $0x0  }
0x12: {  	s1 =	sld [smem:$0x3F95];
	s0 =	simm.s32 @p0 $0x1  }
0x13: {  	[smem:$0x3FB0] =	sst s0;
	s0 =	simm.s32 @!p1 $0x0  }
0x14: {  	s2 =	sld [smem:$0x3F94];
	s0 =	simm.s32 @p1 $0x1  }
0x15: {  	[smem:$0x3FB1] =	sst s0;
	s0 =	simm.s32 @!p2 $0x0  }
0x16: {  	s3 =	sld [smem:$0x3FDB];
	s0 =	simm.s32 @p2 $0x1  }
0x17: {  	s4 =	simm.s32 $0x1BF5;
	[smem:$0x3FB3] =	sst s0  }
0x18: {  	s0 =	sld [smem:$0x3F96];
	_ =	swait.ge [sflag:s4], $0x0  }
0x19: {  	s7 =	sld [smem:$0x3F97]  }
0x1a: {  	s8 =	sadd.s32 $0xFFFFE003, lr  }
0x1b: {  	s9 =	sadd.s32 $0xFFFFFEF7, lr;
	s5 =	simm.s32 $0xFFFFFFFF;
	p2 =	slt.u32 s8, $0xFFFFF086  }
0x1c: {  	p1 =	slt.u32 s9, $0xF7A;
	s5 =	simm.s32 @!p2 $0x0  }
0x1d: {  	s5 =	simm.s32 @p1 $0x1;
	p0 =	seq.s32 s7, s2  }
0x1e: {  	s7 =	smul.u32 @!p0 $0xF7A, s2;
	p2 =	seq.s32 @!p0 s5, $0x0  }
0x1f: {  	s9 =	smul.u32 $0xF7A, s1;
	s8 =	simm.s32 @!p0 $0x1BF5;
	p2 =	por !p2, p0  }
0x20: {  	[sflag:s8] =	ssyncset.s32 @!p0 $0xFFFFF086;
	s6 =	sadd.s32 @!p0 s3, s7;
	s7 =	simm.s32 @!p0 $0x108  }
0x21: {  	s3 =	sadd.s32 s3, s9;
	s6 =	sadd.s32 @!p0 $0x88, s6;
	s7 =	simm.s32 @p2 $0x1082  }
0x22: {  	[simem:s7], [sflag:s8] =	dma.local @!p0 [hbm:s6], $0xF7A  }
0x23: {  	s9 =	sor.u32 $0xD0000000, s2;
	s6 =	simm.s32 $0x108;
	_ =	swait.ge @!p0 [sflag:s8], $0x0  }
0x24: {  	s3 =	sadd.s32 $0x88, s3;
	s6 =	simm.s32 @!p1 $0x1082;
	[sflag:s4] =	ssyncset.s32 $0xFFFFF086  }
0x25: {  	[simem:s6], [sflag:s4] =	dma.local [hbm:s3], $0xF7A  }
0x26: {  	[smem:$0x3F97] =	sst s1;
	(tag) =	ssettag s2;
	_ =	strace s9  }
0x27: {  	s1 =	sld [smem:$0x3FA7]  }
0x28: {  	s2 =	sld [smem:$0x3FA8]  }
0x29: {  	s4 =	sld [smem:$0x3FAA]  }
0x2a: {  	p0 =	seq.s32 s5, $0x0;
	s5 =	sld [smem:$0x3FAB]  }
0x2b: {  	s6 =	sld [smem:$0x3FAC]  }
0x2c: {  	s7 =	sld [smem:$0x3FAD]  }
0x2d: {  	s3 =	simm.s32 $0x108;
	s8 =	sld [smem:$0x3FAE]  }
0x2e: {  	s3 =	simm.s32 @!p0 $0x1082;
	s9 =	sld [smem:$0x3FAF]  }
0x2f: {  	lr =	sadd.s32 s0, s3;
	s0 =	sld [smem:$0x3FA6]  }
0x30: {  	s3 =	sld [smem:$0x3FA9]  }
0x31: {  	[smem:$0x3FB2] =	sst s10  }
0x32: {  	s10 =	sld [smem:$0x3FB0];
	_ =	sdelay $0x3  }
0x33: {  	p0 =	seq.s32 s10, $0x1;
	s10 =	sld [smem:$0x3FB2];
	_ =	sdelay $0x3  }
0x34: {  	[smem:$0x3FB2] =	sst s10  }
0x35: {  	s10 =	sld [smem:$0x3FB1];
	_ =	sdelay $0x3  }
0x36: {  	p1 =	seq.s32 s10, $0x1;
	s10 =	sld [smem:$0x3FB2];
	_ =	sdelay $0x3  }
0x37: {  	[smem:$0x3FB2] =	sst s10  }
0x38: {  	s10 =	sld [smem:$0x3FB3]  }
0x39: {  	_ = 	snop;
	(pc) =	sbr.ind lr, $3  }
0x3a: {  	_ = 	snop  }
0x3b: {  	_ = 	snop  }
0x3c: {  	p2 =	seq.s32 s10, $0x1;
	s10 =	sld [smem:$0x3FB2]  }
0x3d: {  	_ =	shalt  }
0x3e: {  	_ =	shalt  }
0x3f: {  	_ =	shalt  }
0x40: {  	_ =	shalt  }
0x41: {  	_ =	shalt  }
0x42: {  	_ =	shalt  }
0x43: {  	_ =	shalt  }
0x44: {  	_ =	shalt  }
0x45: {  	_ =	shalt  }
0x46: {  	_ =	shalt  }
0x47: {  	_ =	shalt  }
0x48: {  	_ =	shalt  }
0x49: {  	_ =	shalt  }
0x4a: {  	_ =	shalt  }
0x4b: {  	_ =	shalt  }
0x4c: {  	_ =	shalt  }
0x4d: {  	_ =	shalt  }
0x4e: {  	_ =	shalt  }
0x4f: {  	_ =	shalt  }
0x50: {  	_ =	shalt  }
0x51: {  	_ =	shalt  }
0x52: {  	_ =	shalt  }
0x53: {  	_ =	shalt  }
0x54: {  	_ =	shalt  }
0x55: {  	_ =	shalt  }
0x56: {  	_ =	shalt  }
0x57: {  	_ =	shalt  }
0x58: {  	_ =	shalt  }
0x59: {  	_ =	shalt  }
0x5a: {  	_ =	shalt  }
0x5b: {  	_ =	shalt  }
0x5c: {  	_ =	shalt  }
0x5d: {  	_ =	shalt  }
0x5e: {  	_ =	shalt  }
0x5f: {  	_ =	shalt  }
0x60: {  	_ =	shalt  }
0x61: {  	_ =	shalt  }
0x62: {  	_ =	shalt  }
0x63: {  	_ =	shalt  }
0x64: {  	_ =	shalt  }
0x65: {  	_ =	shalt  }
0x66: {  	_ =	shalt  }
0x67: {  	_ =	shalt  }
0x68: {  	_ =	shalt  }
0x69: {  	_ =	shalt  }
0x6a: {  	_ =	shalt  }
0x6b: {  	_ =	shalt  }
0x6c: {  	_ =	shalt  }
0x6d: {  	_ =	shalt  }
0x6e: {  	_ =	shalt  }
0x6f: {  	_ =	shalt  }
0x70: {  	_ =	shalt  }
0x71: {  	_ =	shalt  }
0x72: {  	_ =	shalt  }
0x73: {  	_ =	shalt  }
0x74: {  	_ =	shalt  }
0x75: {  	_ =	shalt  }
0x76: {  	_ =	shalt  }
0x77: {  	_ =	shalt  }
0x78: {  	_ =	shalt  }
0x79: {  	_ =	shalt  }
0x7a: {  	_ =	shalt  }
0x7b: {  	_ =	shalt  }
0x7c: {  	_ =	shalt  }
0x7d: {  	_ =	shalt  }
0x7e: {  	_ =	shalt  }
0x7f: {  	_ =	shalt  }
0x80: {  	_ =	shalt  }
0x81: {  	_ =	shalt  }
0x82: {  	_ =	shalt  }
0x83: {  	_ =	shalt  }
0x84: {  	_ =	shalt  }
0x85: {  	_ =	shalt  }
0x86: {  	_ =	shalt  }
0x87: {  	_ =	shalt  }
.Lfunc_end0:
.L_simem_size_0:
called_computation_lowered:
.L_overlay_start_0:
0x88: {  	s2 =	sld [smem:$0x3FD9]  }
0x89: {  	s3 =	sld [smem:$0x3FFE];
	_ =	sdelay $0x1  }
0x8a: {  	s1 =	srdreg.scid  }
0x8b: {  	s0 =	sand.u32 $0x1, s1  }
0x8c: {  	s17 =	sshll.u32 s0, $0xA;
	s2 =	sadd.s32 s3, s2  }
0x8d: {  	s2 =	sadd.s32 s2, s17  }
0x8e: {  	[smem:$0x3FBE] =	sst s2  }
0x8f: {  	_ = 	snop  }
0x90: {  	s2 =	sld [smem:$0x3FC9]  }
0x91: {  	s18 =	sld [smem:$0x3FC8]  }
0x92: {  	s4 =	sld [smem:$0x3FC7]  }
0x93: {  	s5 =	sld [smem:$0x3FC6];
	(tm) =	ssettm $0x1  }
0x94: {  	s6 =	sld [smem:$0x3FFB];
	_ =	sdelay $0x3  }
0x95: {  	_ =	strace s6  }
0x96: {  	s6 =	sld [smem:$0x3FFC];
	_ =	sdelay $0x3  }
0x97: {  	_ =	strace s6  }
0x98: {  	s6 =	sld [smem:$0x3FFD];
	_ =	sdelay $0x3  }
0x99: {  	_ =	strace s6  }
0x9a: {  	_ =	strace $0x8FFFFFFF  }
0x9b: {  	s19 =	sld [smem:$0x3FDB];
	_ =	sdelay $0x1  }
0x9c: {  	s7 =	simm.s32 $_scs_section_size  }
0x9d: {  	s8 =	simm.s32 $_size__tile_overlayer_lowered;
	s9 =	simm.s32 $_tile_overlayer_lowered  }
0x9e: {  	s22 =	simm.s32 $0x1BFF;
	s21 =	sshll.u32 s9, $0x1;
	s6 =	sadd.s32 s7, s19  }
0x9f: {  	s10 =	simm.s32 $0x0;
	s20 =	sshll.u32 s8, $0x1;
	s8 =	sadd.s32 s21, s6  }
0xa0: {  	[timem:s10], [sflag:s22] =	dma.local [hbm:s8], s20  }
0xa1: {  	_ =	swait.ge [sflag:s22], s20  }
0xa2: {  	s7 =	ssub.s32 $0x0, s20;
	[sflag:s22] =	ssyncset.done $0x0  }
0xa3: {  	[sflag:s22] =	ssyncadd.s32 s7;
	_ =	sdelay $0x1  }
0xa4: {  	s23 =	simm.s32 $0x1B8B  }
0xa5: {  	_ =	swait.ge [sflag:s23], $0x1  }
0xa6: {  	[sflag:s23] =	ssyncset.done $0x0  }
0xa7: {  	s25 =	simm.s32 $0x1B8E;
	s24 =	sld [smem:$0x3FFE];
	[sflag:s23] =	ssyncadd.s32 $0xFFFFFFFF  }
0xa8: {  	s26 =	simm.s32 $execute0_lowered;
	[smem:$0x3FD2] =	sst s25  }
0xa9: {  	s8 =	sshll.u32 s26, $0x1;
	_ =	strace $0x80000046;
	[dreg:$0x1] =	wrdreg $0xFFFFFFFF  }
0xaa: {  	s28 =	simm.s32 $_size_execute0_lowered;
	s6 =	sadd.s32 s6, s8;
	[dreg:$0x0] =	wrdreg $0x0  }
0xab: {  	s8 =	sshll.u32 s28, $0x1;
	[dreg:$0x2] =	wrdreg s6  }
0xac: {  	[dreg:$0x3] =	wrdreg s8  }
0xad: {  	[dreg:$0x4] =	wrdreg $0xC0  }
0xae: {  	_ =	task [dreg:s10], $0x5FFFF  }
0xaf: {  	[dreg:$0x1] =	wrdreg $0xFFFFFFFF  }
0xb0: {  	[dreg:$0x0] =	wrdreg $0x60  }
0xb1: {  	[dreg:$0x2] =	wrdreg s2  }
0xb2: {  	[dreg:$0x3] =	wrdreg s18  }
0xb3: {  	[dreg:$0x4] =	wrdreg s4  }
0xb4: {  	[dreg:$0x5] =	wrdreg s5  }
0xb5: {  	[dreg:$0x6] =	wrdreg s24  }
0xb6: {  	[dreg:$0x7] =	wrdreg $0x9  }
0xb7: {  	_ =	task.clear_ibuf [dreg:s10], $0x8FFFF;
	_ =	strace $0x90000046  }
0xb8: {  	s29 =	simm.s32 $0x9;
	_ =	strace $0x80000048  }
0xb9: {  	_ =	swait.ge [sflag:s29], $0x1  }
0xba: {  	[sflag:s29] =	ssyncadd.s32 $0xFFFFFFFF  }
0xbb: {  	_ =	strace $0x90000048  }
0xbc: {  	_ =	sfence  }
0xbd: {  	s30 =	sld [smem:$0x0];
	_ =	sdelay $0x2  }
0xbe: {  	s31 =	sshll.u32 s1, $0xD;
	s1 =	sshrl.u32 s1, $0x2  }
0xbf: {  	s3 =	sand.u32 $0x4000, s31;
	s1 =	sadd.s32 s1, s30  }
0xc0: {  	s0 =	sor.u32 s3, s0;
	s1 =	sshll.u32 s1, $0x11  }
0xc1: {  	s0 =	sor.u32 s1, s0  }
0xc2: {  	s0 =	sadd.s32 $0x8F2B, s0  }
0xc3: {  	[sflag:s0] =	ssyncadd.remote.s32 $0x1  }
0xc4: {  	_ =	sfence.sel $0xFFFF  }
0xc5: {  	[dreg:$0x0] =	wrdreg $0xFFFFFFFF;
	(pc) =	sbr.abs _section_cstart, $3  }
0xc6: {  	[dreg:$0x1] =	wrdreg $0xFFFFFFFF  }
0xc7: {  	_ =	task.clear_ibuf [dreg:s10], $0x2FFFF;
	_ =	strace $0x9FFFFFFF  }
0xc8: {  	(tm) =	ssettm $0x7FFFFFFF  }
0xc9: {  	_ =	shalt  }
tec
execute0_lowered:
.L_overlay_start_1:
0x0: {  	(tag) =	ssettag $0x1  }
0x1: {  	s0 =	rddreg [dreg:$0x0]  }
0x2: {  	s1 =	rddreg [dreg:$0x1]  }
0x3: {  	s6 =	rddreg [dreg:$0x2]  }
0x4: {  	s3 =	rddreg [dreg:$0x3]  }
0x5: {  	s4 =	rddreg [dreg:$0x4]  }
0x6: {  	s25 =	rddreg [dreg:$0x5];
	s5 =	srdreg.scid  }
0x7: {  	s2 =	simm.s32 $0x0;
	s10 =	stileid.u32;
	s29 =	simm.s32 $0xD  }
0x8: {  	s28 =	simm.s32 $0xE;
	s31 =	simm.s32 $0x280;
	s30 =	simm.s32 $0x300  }
0x9: {  	s23 =	simm.s32 $0x3;
	s22 =	simm.s32 $0x4;
	p0 =	por $0x0, $0x0  }
0xa: {  	s5 =	sand.u32 $0x1, s5;
	[smem:$0x7FF] =	sst s2;
	s7 =	sshll.u32 s10, $0x7  }
0xb: {  	s9 =	sadd.s32 $0x1600, s4;
	s24 =	sshll.u32 s10, $0xE;
	s4 =	sadd.s32 $0x41600, s4  }
0xc: {  	s8 =	sshll.u32 s5, $0x6;
	_ =	strace $0x80000047;
	s18 =	ssub.s32 $0x2, s5  }
0xd: {  	s26 =	sshll.u32 s5, $0xD;
	s7 =	sor.u32 s8, s7;
	s5 =	sshrl.u32 s18, $0x1  }
0xe: {  	s0 =	sadd.s32 s0, s7;
	s1 =	sadd.s32 s1, s7;
	s7 =	sor.u32 s26, s24  }
0xf: {  	s24 =	simm.s32 $0x200;
	s26 =	simm.s32 $0x100;
	[dreg:$0x6] =	wrdreg s0  }
0x10: {  	[dreg:$0x7] =	wrdreg s1;
	s11 =	sadd.s32 s9, s7;
	s12 =	sor.u32 $0x800, s7  }
0x11: {  	s8 =	sor.u32 $0x1000, s7;
	s10 =	sor.u32 $0x1800, s7;
	s16 =	sadd.s32 s4, s7  }
0x12: {  	s1 =	ssub.s32 s18, s5;
	s18 =	simm.s32 $0x80;
	s7 =	simm.s32 $0x4400  }
0x13: {  	[dreg:$0x10] =	wrdreg s26;
	s5 =	simm.s32 $0x8;
	s26 =	simm.s32 $0x380  }
0x14: {  	[dreg:$0x8] =	wrdreg s11;
	s13 =	sadd.s32 s9, s12;
	s14 =	sadd.s32 s9, s8  }
0x15: {  	s15 =	sadd.s32 s9, s10;
	[dreg:$0xc] =	wrdreg s16;
	s17 =	sadd.s32 s4, s12  }
0x16: {  	s19 =	sadd.s32 s4, s8;
	s21 =	smax.u32 s1, $0x1;
	s1 =	rddreg [dreg:$0x6]  }
0x17: {  	s20 =	sadd.s32 s4, s10;
	s8 =	simm.s32 $0x400;
	[dreg:$0x9] =	wrdreg s13  }
0x18: {  	s16 =	simm.s32 $0x10400;
	s11 =	simm.s32 $0x1;
	[dreg:$0xa] =	wrdreg s14  }
0x19: {  	s4 =	simm.s32 $0x7;
	[dreg:$0xb] =	wrdreg s15;
	p1 =	sne.s32 s21, $0x1  }
.Ltmp0:
0x1a: {  	s9 =	simm.s32 $0x2;
	[dreg:$0xd] =	wrdreg s17;
	(pc) =	sbr.rel @!p1 .LBB2_1-.Ltmp0, $4  }
0x1b: {  	s12 =	simm.s32 $0xB;
	s10 =	simm.s32 $0xC;
	[dreg:$0xe] =	wrdreg s19  }
0x1c: {  	[dreg:$0xf] =	wrdreg s20;
	s19 =	simm.s32 $0x8400;
	s17 =	simm.s32 $0xC400  }
0x1d: {  	s14 =	simm.s32 $0x14400;
	s0 =	sadd.s32 $0xFFFFFFFF, s21;
	s21 =	simm.s32 $0x5  }
0x1e: {  	s20 =	simm.s32 $0x6;
	s15 =	simm.s32 $0x9;
	s13 =	simm.s32 $0xA  }
0x1f: {  	[tilespmem:s2], [sflag:$0xD] =	stream.linear.gather [hbm4b:s1+s2], $0x200, $0x38;
	[tilespmem:$0x18400] =	vst v63  }
0x20: {  	s25 =	smov.u32 s0;
	s0 =	rddreg [dreg:$0x7]  }
0x21: {  	[tilespmem:s24], [sflag:$0xE] =	stream.linear.gather [hbm4b:s0+s2], $0x200, $0x38;
	[tilespmem:$0x18400] =	vst v63  }
0x22: {  	_ =	swait.ge [sflag:s29], $0x200  }
0x23: {  	[sflag:s29] =	ssyncset.done $0x0  }
0x24: {  	[sflag:s29] =	ssyncadd.s32 $0xFFFFFE00  }
0x25: {  	_ =	swait.ge [sflag:s28], $0x200  }
0x26: {  	[sflag:s28] =	ssyncset.done $0x0  }
0x27: {  	[sflag:s28] =	ssyncadd.s32 $0xFFFFFE00  }
0x28: {  	[tilespmem:s8], [sflag:$0x1] =	stream.indirect.gather [hbm4b:s6+s18], $0x80, s2, s18, $0xb8;
	[tilespmem:$0x18400] =	vst v63  }
0x29: {  	_ = 	snop  }
0x2a: {  	[tilespmem:s7], [sflag:$0x2] =	stream.indirect.gather [hbm4b:s6+s18], $0x80, s18, s18, $0xb8;
	[tilespmem:$0x18400] =	vst v63  }
0x2b: {  	s1 =	rddreg [dreg:$0x10]  }
0x2c: {  	[tilespmem:s19], [sflag:$0x3] =	stream.indirect.gather [hbm4b:s6+s18], $0x80, s1, s18, $0xb8;
	[tilespmem:$0x18400] =	vst v63  }
0x2d: {  	s1 =	simm.s32 $0x180  }
0x2e: {  	[tilespmem:s17], [sflag:$0x4] =	stream.indirect.gather [hbm4b:s6+s18], $0x80, s1, s18, $0xb8;
	[tilespmem:$0x18400] =	vst v63  }
0x2f: {  	_ = 	snop  }
0x30: {  	[tilespmem:s16], [sflag:$0x5] =	stream.indirect.gather [hbm4b:s3+s18], $0x80, s24, s18, $0xb8;
	[tilespmem:$0x18400] =	vst v63  }
0x31: {  	_ = 	snop  }
0x32: {  	[tilespmem:s14], [sflag:$0x6] =	stream.indirect.gather [hbm4b:s3+s18], $0x80, s31, s18, $0xb8;
	[tilespmem:$0x18400] =	vst v63  }
0x33: {  	_ =	swait.ge [sflag:s11], $0x4000  }
0x34: {  	[sflag:s11] =	ssyncset.done $0x0  }
0x35: {  	s1 =	rddreg [dreg:$0x8];
	[sflag:s11] =	ssyncadd.s32 $0xFFFFC000  }
0x36: {  	[hbm4b:s1+s2] =	stream.linear.scatter [tilespmem:s8], [sflag:$0x7], $0x4000, $0x38;
	[tilespmem:$0x18400] =	vst v63  }
0x37: {  	_ =	swait.ge [sflag:s4], $0x4000  }
0x38: {  	[sflag:s4] =	ssyncset.done $0x0  }
0x39: {  	[sflag:s4] =	ssyncadd.s32 $0xFFFFC000  }
0x3a: {  	[tilespmem:s8], [sflag:$0x1] =	stream.indirect.gather [hbm4b:s3+s18], $0x80, s30, s18, $0xb8;
	[tilespmem:$0x18400] =	vst v63  }
0x3b: {  	_ =	swait.ge [sflag:s9], $0x4000  }
0x3c: {  	[sflag:s9] =	ssyncset.done $0x0  }
0x3d: {  	s1 =	rddreg [dreg:$0x9];
	[sflag:s9] =	ssyncadd.s32 $0xFFFFC000  }
0x3e: {  	[hbm4b:s1+s2] =	stream.linear.scatter [tilespmem:s7], [sflag:$0x8], $0x4000, $0x38;
	[tilespmem:$0x18400] =	vst v63  }
0x3f: {  	_ =	swait.ge [sflag:s5], $0x4000  }
0x40: {  	[sflag:s5] =	ssyncset.done $0x0  }
0x41: {  	[sflag:s5] =	ssyncadd.s32 $0xFFFFC000  }
0x42: {  	[tilespmem:s7], [sflag:$0x2] =	stream.indirect.gather [hbm4b:s3+s18], $0x80, s26, s18, $0xb8;
	[tilespmem:$0x18400] =	vst v63  }
0x43: {  	_ =	swait.ge [sflag:s23], $0x4000  }
0x44: {  	[sflag:s23] =	ssyncset.done $0x0  }
0x45: {  	s1 =	rddreg [dreg:$0xa];
	[sflag:s23] =	ssyncadd.s32 $0xFFFFC000  }
0x46: {  	[hbm4b:s1+s2] =	stream.linear.scatter [tilespmem:s19], [sflag:$0x9], $0x4000, $0x38;
	[tilespmem:$0x18400] =	vst v63  }
0x47: {  	_ =	swait.ge [sflag:s22], $0x4000  }
0x48: {  	[sflag:s22] =	ssyncset.done $0x0  }
0x49: {  	s1 =	rddreg [dreg:$0xb];
	[sflag:s22] =	ssyncadd.s32 $0xFFFFC000  }
0x4a: {  	[hbm4b:s1+s2] =	stream.linear.scatter [tilespmem:s17], [sflag:$0xA], $0x4000, $0x38;
	[tilespmem:$0x18400] =	vst v63  }
0x4b: {  	_ =	swait.ge [sflag:s21], $0x4000  }
0x4c: {  	[sflag:s21] =	ssyncset.done $0x0  }
0x4d: {  	s1 =	rddreg [dreg:$0xc];
	[sflag:s21] =	ssyncadd.s32 $0xFFFFC000  }
0x4e: {  	[hbm4b:s1+s2] =	stream.linear.scatter [tilespmem:s16], [sflag:$0xB], $0x4000, $0x38;
	[tilespmem:$0x18400] =	vst v63  }
0x4f: {  	_ =	swait.ge [sflag:s20], $0x4000  }
0x50: {  	[sflag:s20] =	ssyncset.done $0x0  }
0x51: {  	s1 =	rddreg [dreg:$0xd];
	[sflag:s20] =	ssyncadd.s32 $0xFFFFC000  }
0x52: {  	[hbm4b:s1+s2] =	stream.linear.scatter [tilespmem:s14], [sflag:$0xC], $0x4000, $0x38;
	[tilespmem:$0x18400] =	vst v63  }
0x53: {  	_ =	swait.ge [sflag:s11], $0x4000  }
0x54: {  	[sflag:s11] =	ssyncset.done $0x0  }
0x55: {  	s1 =	rddreg [dreg:$0xe];
	[sflag:s11] =	ssyncadd.s32 $0xFFFFC000  }
0x56: {  	[hbm4b:s1+s2] =	stream.linear.scatter [tilespmem:s8], [sflag:$0x7], $0x4000, $0x38;
	[tilespmem:$0x18400] =	vst v63  }
0x57: {  	_ =	swait.ge [sflag:s9], $0x4000  }
0x58: {  	[sflag:s9] =	ssyncset.done $0x0  }
0x59: {  	s1 =	rddreg [dreg:$0xf];
	[sflag:s9] =	ssyncadd.s32 $0xFFFFC000  }
0x5a: {  	[hbm4b:s1+s2] =	stream.linear.scatter [tilespmem:s7], [sflag:$0x8], $0x4000, $0x38;
	[tilespmem:$0x18400] =	vst v63  }
0x5b: {  	_ =	swait.ge [sflag:s15], $0x4000  }
0x5c: {  	[sflag:s15] =	ssyncset.done $0x0  }
0x5d: {  	[sflag:s15] =	ssyncadd.s32 $0xFFFFC000  }
0x5e: {  	_ =	swait.ge [sflag:s13], $0x4000  }
0x5f: {  	[sflag:s13] =	ssyncset.done $0x0  }
0x60: {  	[sflag:s13] =	ssyncadd.s32 $0xFFFFC000  }
0x61: {  	_ =	swait.ge [sflag:s12], $0x4000  }
0x62: {  	[sflag:s12] =	ssyncset.done $0x0  }
0x63: {  	[sflag:s12] =	ssyncadd.s32 $0xFFFFC000  }
0x64: {  	_ =	swait.ge [sflag:s10], $0x4000  }
0x65: {  	[sflag:s10] =	ssyncset.done $0x0  }
0x66: {  	p1 =	sne.s32 s25, $0x1;
	[sflag:s10] =	ssyncadd.s32 $0xFFFFC000  }
.Ltmp1:
0x67: {  	_ =	swait.ge [sflag:s4], $0x4000;
	(pc) =	sbr.rel @!p1 .LBB2_3-.Ltmp1, $4  }
0x68: {  	[sflag:s4] =	ssyncset.done $0x0  }
0x69: {  	[sflag:s4] =	ssyncadd.s32 $0xFFFFC000  }
0x6a: {  	p0 =	por $0x1, $0x1;
	_ =	swait.ge [sflag:s5], $0x4000  }
0x6b: {  	s0 =	sadd.s32 $0xFFFFFFFF, s25;
	s1 =	rddreg [dreg:$0x6];
	[sflag:s5] =	ssyncset.done $0x0  }
.LBB2_4:
0x6c: {  	[sflag:s5] =	ssyncadd.s32 $0xFFFFC000  }
0x6d: {  	[tilespmem:s2], [sflag:$0xD] =	stream.linear.gather [hbm4b:s1+s2], $0x200, $0x38;
	[tilespmem:$0x18400] =	vst v63  }
0x6e: {  	s25 =	rddreg [dreg:$0x7]  }
0x6f: {  	[tilespmem:s24], [sflag:$0xE] =	stream.linear.gather [hbm4b:s25+s2], $0x200, $0x38;
	[tilespmem:$0x18400] =	vst v63  }
0x70: {  	_ =	swait.ge [sflag:s29], $0x200  }
0x71: {  	[sflag:s29] =	ssyncset.done $0x0  }
0x72: {  	[sflag:s29] =	ssyncadd.s32 $0xFFFFFE00  }
0x73: {  	_ =	swait.ge [sflag:s28], $0x200  }
0x74: {  	[sflag:s28] =	ssyncset.done $0x0  }
0x75: {  	[sflag:s28] =	ssyncadd.s32 $0xFFFFFE00  }
0x76: {  	[tilespmem:s8], [sflag:$0x1] =	stream.indirect.gather [hbm4b:s6+s18], $0x80, s2, s18, $0xb8;
	[tilespmem:$0x18400] =	vst v63  }
0x77: {  	_ = 	snop  }
0x78: {  	[tilespmem:s7], [sflag:$0x2] =	stream.indirect.gather [hbm4b:s6+s18], $0x80, s18, s18, $0xb8;
	[tilespmem:$0x18400] =	vst v63  }
0x79: {  	s25 =	rddreg [dreg:$0x10]  }
0x7a: {  	[tilespmem:s19], [sflag:$0x3] =	stream.indirect.gather [hbm4b:s6+s18], $0x80, s25, s18, $0xb8;
	[tilespmem:$0x18400] =	vst v63  }
0x7b: {  	s25 =	simm.s32 $0x180  }
0x7c: {  	[tilespmem:s17], [sflag:$0x4] =	stream.indirect.gather [hbm4b:s6+s18], $0x80, s25, s18, $0xb8;
	[tilespmem:$0x18400] =	vst v63  }
0x7d: {  	_ = 	snop  }
0x7e: {  	[tilespmem:s16], [sflag:$0x5] =	stream.indirect.gather [hbm4b:s3+s18], $0x80, s24, s18, $0xb8;
	[tilespmem:$0x18400] =	vst v63  }
0x7f: {  	_ = 	snop  }
0x80: {  	[tilespmem:s14], [sflag:$0x6] =	stream.indirect.gather [hbm4b:s3+s18], $0x80, s31, s18, $0xb8;
	[tilespmem:$0x18400] =	vst v63  }
0x81: {  	_ =	swait.ge [sflag:s11], $0x4000  }
0x82: {  	[sflag:s11] =	ssyncset.done $0x0  }
0x83: {  	s25 =	rddreg [dreg:$0x8];
	[sflag:s11] =	ssyncadd.s32 $0xFFFFC000  }
0x84: {  	[hbm4b:s25+s2] =	stream.linear.scatter [tilespmem:s8], [sflag:$0x7], $0x4000, $0x38;
	[tilespmem:$0x18400] =	vst v63  }
0x85: {  	_ =	swait.ge [sflag:s4], $0x4000  }
0x86: {  	[sflag:s4] =	ssyncset.done $0x0  }
0x87: {  	[sflag:s4] =	ssyncadd.s32 $0xFFFFC000  }
0x88: {  	[tilespmem:s8], [sflag:$0x1] =	stream.indirect.gather [hbm4b:s3+s18], $0x80, s30, s18, $0xb8;
	[tilespmem:$0x18400] =	vst v63  }
0x89: {  	_ =	swait.ge [sflag:s9], $0x4000  }
0x8a: {  	[sflag:s9] =	ssyncset.done $0x0  }
0x8b: {  	s25 =	rddreg [dreg:$0x9];
	[sflag:s9] =	ssyncadd.s32 $0xFFFFC000  }
0x8c: {  	[hbm4b:s25+s2] =	stream.linear.scatter [tilespmem:s7], [sflag:$0x8], $0x4000, $0x38;
	[tilespmem:$0x18400] =	vst v63  }
0x8d: {  	_ =	swait.ge [sflag:s5], $0x4000  }
0x8e: {  	[sflag:s5] =	ssyncset.done $0x0  }
0x8f: {  	[sflag:s5] =	ssyncadd.s32 $0xFFFFC000  }
0x90: {  	[tilespmem:s7], [sflag:$0x2] =	stream.indirect.gather [hbm4b:s3+s18], $0x80, s26, s18, $0xb8;
	[tilespmem:$0x18400] =	vst v63  }
0x91: {  	_ =	swait.ge [sflag:s23], $0x4000  }
0x92: {  	[sflag:s23] =	ssyncset.done $0x0  }
0x93: {  	s25 =	rddreg [dreg:$0xa];
	[sflag:s23] =	ssyncadd.s32 $0xFFFFC000  }
0x94: {  	[hbm4b:s25+s2] =	stream.linear.scatter [tilespmem:s19], [sflag:$0x9], $0x4000, $0x38;
	[tilespmem:$0x18400] =	vst v63  }
0x95: {  	_ =	swait.ge [sflag:s22], $0x4000  }
0x96: {  	[sflag:s22] =	ssyncset.done $0x0  }
0x97: {  	s25 =	rddreg [dreg:$0xb];
	[sflag:s22] =	ssyncadd.s32 $0xFFFFC000  }
0x98: {  	[hbm4b:s25+s2] =	stream.linear.scatter [tilespmem:s17], [sflag:$0xA], $0x4000, $0x38;
	[tilespmem:$0x18400] =	vst v63  }
0x99: {  	_ =	swait.ge [sflag:s21], $0x4000  }
0x9a: {  	[sflag:s21] =	ssyncset.done $0x0  }
0x9b: {  	s25 =	rddreg [dreg:$0xc];
	[sflag:s21] =	ssyncadd.s32 $0xFFFFC000  }
0x9c: {  	[hbm4b:s25+s2] =	stream.linear.scatter [tilespmem:s16], [sflag:$0xB], $0x4000, $0x38;
	[tilespmem:$0x18400] =	vst v63  }
0x9d: {  	_ =	swait.ge [sflag:s20], $0x4000  }
0x9e: {  	[sflag:s20] =	ssyncset.done $0x0  }
0x9f: {  	s25 =	rddreg [dreg:$0xd];
	[sflag:s20] =	ssyncadd.s32 $0xFFFFC000  }
0xa0: {  	[hbm4b:s25+s2] =	stream.linear.scatter [tilespmem:s14], [sflag:$0xC], $0x4000, $0x38;
	[tilespmem:$0x18400] =	vst v63  }
0xa1: {  	_ =	swait.ge [sflag:s11], $0x4000  }
0xa2: {  	[sflag:s11] =	ssyncset.done $0x0  }
0xa3: {  	s25 =	rddreg [dreg:$0xe];
	[sflag:s11] =	ssyncadd.s32 $0xFFFFC000  }
0xa4: {  	[hbm4b:s25+s2] =	stream.linear.scatter [tilespmem:s8], [sflag:$0x7], $0x4000, $0x38;
	[tilespmem:$0x18400] =	vst v63  }
0xa5: {  	_ =	swait.ge [sflag:s9], $0x4000  }
0xa6: {  	[sflag:s9] =	ssyncset.done $0x0  }
0xa7: {  	s25 =	rddreg [dreg:$0xf];
	[sflag:s9] =	ssyncadd.s32 $0xFFFFC000  }
0xa8: {  	[hbm4b:s25+s2] =	stream.linear.scatter [tilespmem:s7], [sflag:$0x8], $0x4000, $0x38;
	[tilespmem:$0x18400] =	vst v63  }
0xa9: {  	_ =	swait.ge [sflag:s15], $0x4000  }
0xaa: {  	[sflag:s15] =	ssyncset.done $0x0  }
0xab: {  	[sflag:s15] =	ssyncadd.s32 $0xFFFFC000  }
0xac: {  	_ =	swait.ge [sflag:s13], $0x4000  }
0xad: {  	[sflag:s13] =	ssyncset.done $0x0  }
0xae: {  	[sflag:s13] =	ssyncadd.s32 $0xFFFFC000  }
0xaf: {  	_ =	swait.ge [sflag:s12], $0x4000  }
0xb0: {  	[sflag:s12] =	ssyncset.done $0x0  }
0xb1: {  	[sflag:s12] =	ssyncadd.s32 $0xFFFFC000  }
0xb2: {  	_ =	swait.ge [sflag:s10], $0x4000  }
0xb3: {  	[sflag:s10] =	ssyncset.done $0x0  }
0xb4: {  	p1 =	sne.s32 s0, $0x1;
	[sflag:s10] =	ssyncadd.s32 $0xFFFFC000  }
.Ltmp2:
0xb5: {  	_ =	swait.ge [sflag:s4], $0x4000;
	(pc) =	sbr.rel @p1 .LBB2_4-.Ltmp2, $4  }
0xb6: {  	[sflag:s4] =	ssyncset.done $0x0  }
0xb7: {  	[sflag:s4] =	ssyncadd.s32 $0xFFFFC000  }
0xb8: {  	_ =	swait.ge [sflag:s5], $0x4000  }
0xb9: {  	s0 =	sadd.s32 $0xFFFFFFFF, s0;
	s1 =	rddreg [dreg:$0x6];
	[sflag:s5] =	ssyncset.done $0x0  }
0xba: {  	s26 =	simm.s32 $0x280  }
0xbb: {  	s31 =	simm.s32 $0x180;
	s30 =	simm.s32 $0x300;
	s25 =	rddreg [dreg:$0x5]  }
.LBB2_6:
0xbc: {  	[sflag:s5] =	ssyncadd.s32 @p0 $0xFFFFC000  }
0xbd: {  	[tilespmem:s2], [sflag:$0xD] =	stream.linear.gather [hbm4b:s1+s2], $0x200, $0x38;
	[tilespmem:$0x18400] =	vst v63  }
0xbe: {  	s0 =	rddreg [dreg:$0x7]  }
0xbf: {  	[tilespmem:s24], [sflag:$0xE] =	stream.linear.gather [hbm4b:s0+s2], $0x200, $0x38;
	[tilespmem:$0x18400] =	vst v63  }
0xc0: {  	_ =	swait.ge [sflag:s29], $0x200  }
0xc1: {  	[sflag:s29] =	ssyncset.done $0x0  }
0xc2: {  	[sflag:s29] =	ssyncadd.s32 $0xFFFFFE00  }
0xc3: {  	_ =	swait.ge [sflag:s28], $0x200  }
0xc4: {  	[sflag:s28] =	ssyncset.done $0x0  }
0xc5: {  	[sflag:s28] =	ssyncadd.s32 $0xFFFFFE00  }
0xc6: {  	[tilespmem:s8], [sflag:$0x1] =	stream.indirect.gather [hbm4b:s6+s18], $0x80, s2, s18, $0xb8;
	[tilespmem:$0x18400] =	vst v63  }
0xc7: {  	_ = 	snop  }
0xc8: {  	[tilespmem:s7], [sflag:$0x2] =	stream.indirect.gather [hbm4b:s6+s18], $0x80, s18, s18, $0xb8;
	[tilespmem:$0x18400] =	vst v63  }
0xc9: {  	s29 =	rddreg [dreg:$0x10]  }
0xca: {  	[tilespmem:s19], [sflag:$0x3] =	stream.indirect.gather [hbm4b:s6+s18], $0x80, s29, s18, $0xb8;
	[tilespmem:$0x18400] =	vst v63  }
0xcb: {  	_ = 	snop  }
0xcc: {  	[tilespmem:s17], [sflag:$0x4] =	stream.indirect.gather [hbm4b:s6+s18], $0x80, s31, s18, $0xb8;
	[tilespmem:$0x18400] =	vst v63  }
0xcd: {  	_ = 	snop  }
0xce: {  	[tilespmem:s16], [sflag:$0x5] =	stream.indirect.gather [hbm4b:s3+s18], $0x80, s24, s18, $0xb8;
	[tilespmem:$0x18400] =	vst v63  }
0xcf: {  	_ = 	snop  }
0xd0: {  	[tilespmem:s14], [sflag:$0x6] =	stream.indirect.gather [hbm4b:s3+s18], $0x80, s26, s18, $0xb8;
	[tilespmem:$0x18400] =	vst v63  }
0xd1: {  	_ =	swait.ge [sflag:s11], $0x4000  }
0xd2: {  	[sflag:s11] =	ssyncset.done $0x0  }
0xd3: {  	s31 =	rddreg [dreg:$0x8];
	[sflag:s11] =	ssyncadd.s32 $0xFFFFC000  }
0xd4: {  	[hbm4b:s31+s2] =	stream.linear.scatter [tilespmem:s8], [sflag:$0x7], $0x4000, $0x38;
	[tilespmem:$0x18400] =	vst v63  }
0xd5: {  	_ =	swait.ge [sflag:s4], $0x4000  }
0xd6: {  	[sflag:s4] =	ssyncset.done $0x0  }
0xd7: {  	[sflag:s4] =	ssyncadd.s32 $0xFFFFC000  }
0xd8: {  	[tilespmem:s8], [sflag:$0x1] =	stream.indirect.gather [hbm4b:s3+s18], $0x80, s30, s18, $0xb8;
	[tilespmem:$0x18400] =	vst v63  }
0xd9: {  	_ =	swait.ge [sflag:s9], $0x4000  }
0xda: {  	[sflag:s9] =	ssyncset.done $0x0  }
0xdb: {  	s1 =	rddreg [dreg:$0x9];
	[sflag:s9] =	ssyncadd.s32 $0xFFFFC000  }
0xdc: {  	[hbm4b:s1+s2] =	stream.linear.scatter [tilespmem:s7], [sflag:$0x8], $0x4000, $0x38;
	[tilespmem:$0x18400] =	vst v63  }
0xdd: {  	_ =	swait.ge [sflag:s5], $0x4000  }
0xde: {  	[sflag:s5] =	ssyncset.done $0x0  }
0xdf: {  	s6 =	simm.s32 $0x380;
	[sflag:s5] =	ssyncadd.s32 $0xFFFFC000  }
0xe0: {  	[tilespmem:s7], [sflag:$0x2] =	stream.indirect.gather [hbm4b:s3+s18], $0x80, s6, s18, $0xb8;
	[tilespmem:$0x18400] =	vst v63  }
0xe1: {  	_ =	swait.ge [sflag:s23], $0x4000  }
0xe2: {  	[sflag:s23] =	ssyncset.done $0x0  }
0xe3: {  	s18 =	rddreg [dreg:$0xa];
	[sflag:s23] =	ssyncadd.s32 $0xFFFFC000  }
0xe4: {  	[hbm4b:s18+s2] =	stream.linear.scatter [tilespmem:s19], [sflag:$0x9], $0x4000, $0x38;
	[tilespmem:$0x18400] =	vst v63  }
0xe5: {  	_ =	swait.ge [sflag:s22], $0x4000  }
0xe6: {  	[sflag:s22] =	ssyncset.done $0x0  }
0xe7: {  	s24 =	rddreg [dreg:$0xb];
	[sflag:s22] =	ssyncadd.s32 $0xFFFFC000  }
0xe8: {  	[hbm4b:s24+s2] =	stream.linear.scatter [tilespmem:s17], [sflag:$0xA], $0x4000, $0x38;
	[tilespmem:$0x18400] =	vst v63  }
0xe9: {  	_ =	swait.ge [sflag:s21], $0x4000  }
0xea: {  	[sflag:s21] =	ssyncset.done $0x0  }
0xeb: {  	s26 =	rddreg [dreg:$0xc];
	[sflag:s21] =	ssyncadd.s32 $0xFFFFC000  }
0xec: {  	[hbm4b:s26+s2] =	stream.linear.scatter [tilespmem:s16], [sflag:$0xB], $0x4000, $0x38;
	[tilespmem:$0x18400] =	vst v63  }
0xed: {  	_ =	swait.ge [sflag:s20], $0x4000  }
0xee: {  	[sflag:s20] =	ssyncset.done $0x0  }
0xef: {  	s28 =	rddreg [dreg:$0xd];
	[sflag:s20] =	ssyncadd.s32 $0xFFFFC000  }
0xf0: {  	[hbm4b:s28+s2] =	stream.linear.scatter [tilespmem:s14], [sflag:$0xC], $0x4000, $0x38;
	[tilespmem:$0x18400] =	vst v63  }
0xf1: {  	_ =	swait.ge [sflag:s11], $0x4000  }
0xf2: {  	[sflag:s11] =	ssyncset.done $0x0  }
0xf3: {  	s29 =	rddreg [dreg:$0xe];
	[sflag:s11] =	ssyncadd.s32 $0xFFFFC000  }
0xf4: {  	[hbm4b:s29+s2] =	stream.linear.scatter [tilespmem:s8], [sflag:$0x7], $0x4000, $0x38;
	[tilespmem:$0x18400] =	vst v63  }
0xf5: {  	_ =	swait.ge [sflag:s9], $0x4000  }
0xf6: {  	[sflag:s9] =	ssyncset.done $0x0  }
0xf7: {  	s30 =	rddreg [dreg:$0xf];
	[sflag:s9] =	ssyncadd.s32 $0xFFFFC000  }
0xf8: {  	[hbm4b:s30+s2] =	stream.linear.scatter [tilespmem:s7], [sflag:$0x8], $0x4000, $0x38;
	[tilespmem:$0x18400] =	vst v63  }
0xf9: {  	_ =	swait.ge [sflag:s15], $0x4000  }
0xfa: {  	[sflag:s15] =	ssyncset.done $0x0  }
0xfb: {  	[sflag:s15] =	ssyncadd.s32 $0xFFFFC000  }
0xfc: {  	_ =	swait.ge [sflag:s13], $0x4000  }
0xfd: {  	[sflag:s13] =	ssyncset.done $0x0  }
0xfe: {  	[sflag:s13] =	ssyncadd.s32 $0xFFFFC000  }
0xff: {  	_ =	swait.ge [sflag:s12], $0x4000  }
0x100: {  	[sflag:s12] =	ssyncset.done $0x0  }
0x101: {  	[sflag:s12] =	ssyncadd.s32 $0xFFFFC000  }
0x102: {  	_ =	swait.ge [sflag:s10], $0x4000  }
0x103: {  	[sflag:s10] =	ssyncset.done $0x0  }
0x104: {  	[sflag:s10] =	ssyncadd.s32 $0xFFFFC000  }
0x105: {  	_ =	swait.ge [sflag:s4], $0x4000  }
0x106: {  	[sflag:s4] =	ssyncset.done $0x0  }
0x107: {  	[sflag:s4] =	ssyncadd.s32 $0xFFFFC000  }
0x108: {  	_ =	swait.ge [sflag:s5], $0x4000  }
0x109: {  	[sflag:s5] =	ssyncset.done $0x0  }
0x10a: {  	[sflag:s5] =	ssyncadd.s32 $0xFFFFC000  }
0x10b: {  	_ =	sfence.sel $0x180000  }
0x10c: {  	s31 =	stileid.u32;
	[bflag:$0x0] =	sbarrier.arrive $0xFFFF  }
0x10d: {  	p0 =	sne.s32 s31, $0x0;
	_ =	strace $0x90000047  }
0x10e: {  	s0 =	sadd.s32 @!p0 $0x100000, s25;
	[bflag:$0x2] =	sbarrier.arrive $0xFFFF  }
0x10f: {  	[sflag:s0] =	ssyncadd.tile.s32 @!p0 $0x1;
	_ =	shalt  }
.LBB2_1:
.Ltmp3:
0x110: {  	(pc) =	sbr.rel .LBB2_6-.Ltmp3, $2  }
0x111: {  	_ =	sdelay $0x2  }
0x112: {  	s26 =	simm.s32 $0x280;
	s31 =	simm.s32 $0x180;
	s30 =	simm.s32 $0x300  }
.LBB2_3:
.Ltmp4:
0x113: {  	(pc) =	sbr.rel .LBB2_6-.Ltmp4, $3  }
0x114: {  	_ =	sdelay $0x1  }
0x115: {  	s26 =	simm.s32 $0x280  }
0x116: {  	s31 =	simm.s32 $0x180;
	s30 =	simm.s32 $0x300;
	s25 =	rddreg [dreg:$0x5]  }
.Lfunc_end2:
_tile_overlayer_lowered:
.L_overlay_start_2:
0x117: {  	(tag) =	ssettag $0x2  }
0x118: {  	s0 =	rddreg [dreg:$0x0];
	s2 =	stileid.u32  }
0x119: {  	s1 =	rddreg [dreg:$0x1];
	p0 =	sne.s32 s2, $0x0  }
0x11a: {  	s3 =	rddreg [dreg:$0x2];
	[bflag:$0x3] =	sbarrier.arrive $0xFFFF;
	s2 =	simm.s32 @!p0 $0x1C0F  }
0x11b: {  	[timem:s3], [sflag:s2] =	dma.local @!p0 [hbm:s0], s1  }
0x11c: {  	s0 =	simm.s32 @!p0 $0xF  }
0x11d: {  	_ =	swait.ge @!p0 [sflag:s0], s1  }
0x11e: {  	s1 =	ssub.s32 @!p0 $0x0, s1;
	[sflag:s0] =	ssyncset.done @!p0 $0x0  }
0x11f: {  	[sflag:s0] =	ssyncadd.s32 @!p0 s1  }
0x120: {  	[bflag:$0x3] =	sbarrier.arrive $0xFFFF  }
0x121: {  	_ =	shalt  }

</sc_bundles>
